<compile_context>
chip_gen: v7x
topology: tpu7x:2x2x1
jax: 0.10.2.dev20260603
libtpu: 0.0.44.dev20260713+nightly
codegen_flags: <defaults>
</compile_context>

<pallas_src>
import functools

import jax
import jax.numpy as jnp
from jax import lax
from jax.experimental import pallas as pl
from jax.experimental.pallas import tpu as pltpu
from jax.experimental.pallas import tpu_sc as plsc

N = 10000
E = 320000
DIN = 128
DH = 256

NSUB = 16
NCORE = 2
NW = NCORE * NSUB
CHUNK = 128
EP = 327680
NPAD = EP - E
NDUM = 128
NCH1 = EP // NW // CHUNK
NCH2 = EP // NSUB // CHUNK
IB1 = 16
NB1 = NCH1 // IB1
IB2 = 32
NB2 = NCH2 // IB2
ZROWS = 624
ZTAIL = N - NSUB * ZROWS

_mesh = plsc.VectorSubcoreMesh(core_axis_name="c", subcore_axis_name="s")


def _copy_row_slices(src_at, dst_at, s):
    pltpu.sync_copy(src_at(pl.ds(s * ZROWS, ZROWS)),
                    dst_at(pl.ds(s * ZROWS, ZROWS)))

    @pl.when(s == 0)
    def _():
        pltpu.sync_copy(src_at(pl.ds(NSUB * ZROWS, ZTAIL)),
                        dst_at(pl.ds(NSUB * ZROWS, ZTAIL)))


@functools.partial(
    pl.kernel,
    mesh=_mesh,
    out_type=(
        jax.ShapeDtypeStruct((NCORE, N, DIN), jnp.float32),
        jax.ShapeDtypeStruct((NCORE, N + NDUM), jnp.float32),
    ),
    scratch_types=[
        pltpu.VMEM((IB1, CHUNK), jnp.int32),
        pltpu.VMEM((IB1, CHUNK), jnp.int32),
        pltpu.VMEM((CHUNK, DIN), jnp.float32),
        pltpu.VMEM((CHUNK, DIN), jnp.float32),
        pltpu.VMEM((CHUNK,), jnp.float32),
        pltpu.VMEM_SHARED((N + NDUM, DIN), jnp.float32),
        pltpu.VMEM_SHARED((N + NDUM,), jnp.float32),
        pltpu.SemaphoreType.DMA,
        pltpu.SemaphoreType.DMA,
        pltpu.SemaphoreType.DMA,
    ],
)
def _sc_agg1(x_hbm, src_hbm, dst_hbm, zf_hbm, zc_hbm,
             agg_hbm, cnt_hbm,
             src_v, dst_v, rows0, rows1, ones_v, acc_sh, cnt_sh,
             gs0, gs1, csem):
    c = lax.axis_index("c")
    s = lax.axis_index("s")
    wid = c * NSUB + s
    rows = (rows0, rows1)
    gs = (gs0, gs1)
    for j in range(CHUNK // 16):
        ones_v[pl.ds(j * 16, 16)] = jnp.ones((16,), jnp.float32)
    _copy_row_slices(lambda d: zf_hbm.at[d], lambda d: acc_sh.at[d], s)

    @pl.when(s == 0)
    def _():
        pltpu.sync_copy(zc_hbm, cnt_sh)

    plsc.subcore_barrier()

    def g_start(k, b):
        pltpu.async_copy(x_hbm.at[src_v.at[k]], rows[b], gs[b])

    def g_wait(k, b):
        pltpu.make_async_copy(x_hbm.at[src_v.at[k]], rows[b], gs[b]).wait()

    def s_sync(k, b):
        pltpu.sync_copy(rows[b], acc_sh.at[dst_v.at[k]], add=True)
        pltpu.async_copy(ones_v, cnt_sh.at[dst_v.at[k]], csem, add=True)

    def c_drain(k):
        pltpu.make_async_copy(ones_v, cnt_sh.at[dst_v.at[k]], csem).wait()

    def block_body(blk, carry):
        pltpu.sync_copy(src_hbm.at[wid * NB1 + blk], src_v)
        pltpu.sync_copy(dst_hbm.at[wid * NB1 + blk], dst_v)
        g_start(0, 0)
        g_start(1, 1)

        def chunk_body(k2, carry2):
            k = 2 * k2
            g_wait(k, 0)
            s_sync(k, 0)
            g_start(k + 2, 0)
            g_wait(k + 1, 1)
            s_sync(k + 1, 1)
            g_start(k + 3, 1)
            return carry2

        lax.fori_loop(0, IB1 // 2 - 1, chunk_body, 0)
        k = IB1 - 2
        g_wait(k, 0)
        s_sync(k, 0)
        g_wait(k + 1, 1)
        s_sync(k + 1, 1)
        lax.fori_loop(0, IB1, lambda j, c2: (c_drain(j), c2)[1], 0)
        return carry

    lax.fori_loop(0, NB1, block_body, 0)

    plsc.subcore_barrier()
    _copy_row_slices(lambda d: acc_sh.at[d], lambda d: agg_hbm.at[c, d], s)

    @pl.when(s == 0)
    def _():
        pltpu.sync_copy(cnt_sh, cnt_hbm.at[c])


@functools.partial(
    pl.kernel,
    mesh=_mesh,
    out_type=jax.ShapeDtypeStruct((NCORE, N, DIN), jnp.float32),
    scratch_types=[
        pltpu.VMEM((IB2, CHUNK), jnp.int32),
        pltpu.VMEM((IB2, CHUNK), jnp.int32),
        pltpu.VMEM((CHUNK, DIN), jnp.float32),
        pltpu.VMEM((CHUNK, DIN), jnp.float32),
        pltpu.VMEM_SHARED((N + NDUM, DIN), jnp.float32),
        pltpu.SemaphoreType.DMA,
        pltpu.SemaphoreType.DMA,
    ],
)
def _sc_agg2(h1s_hbm, srcoff_hbm, dst_hbm, zf_hbm,
             agg_hbm,
             src_v, dst_v, rows0, rows1, acc_sh,
             gs0, gs1):
    c = lax.axis_index("c")
    s = lax.axis_index("s")
    wid = c * NSUB + s
    rows = (rows0, rows1)
    gs = (gs0, gs1)
    _copy_row_slices(lambda d: zf_hbm.at[d], lambda d: acc_sh.at[d], s)
    plsc.subcore_barrier()

    def g_start(k, b):
        pltpu.async_copy(h1s_hbm.at[src_v.at[k]], rows[b], gs[b])

    def g_wait(k, b):
        pltpu.make_async_copy(h1s_hbm.at[src_v.at[k]], rows[b], gs[b]).wait()

    def s_sync(k, b):
        pltpu.sync_copy(rows[b], acc_sh.at[dst_v.at[k]], add=True)

    def block_body(blk, carry):
        pltpu.sync_copy(srcoff_hbm.at[wid * NB2 + blk], src_v)
        pltpu.sync_copy(dst_hbm.at[s * NB2 + blk], dst_v)
        g_start(0, 0)
        g_start(1, 1)

        def chunk_body(k2, carry2):
            k = 2 * k2
            g_wait(k, 0)
            s_sync(k, 0)
            g_start(k + 2, 0)
            g_wait(k + 1, 1)
            s_sync(k + 1, 1)
            g_start(k + 3, 1)
            return carry2

        lax.fori_loop(0, IB2 // 2 - 1, chunk_body, 0)
        k = IB2 - 2
        g_wait(k, 0)
        s_sync(k, 0)
        g_wait(k + 1, 1)
        s_sync(k + 1, 1)
        return carry

    lax.fori_loop(0, NB2, block_body, 0)

    plsc.subcore_barrier()
    _copy_row_slices(lambda d: acc_sh.at[d], lambda d: agg_hbm.at[c, d], s)


def _tc1_body(x_ref, aggp_ref, cnt_ref, wl_ref, wr_ref, b_ref,
              h1_ref):
    agg = aggp_ref[0] + aggp_ref[1]
    cnt = cnt_ref[:, 0] + cnt_ref[:, 1]
    inv = 1.0 / jnp.maximum(cnt, 1.0)
    aggn = agg * inv[:, None]
    h = (jnp.dot(aggn, wl_ref[...], preferred_element_type=jnp.float32)
         + jnp.dot(x_ref[...], wr_ref[...], preferred_element_type=jnp.float32)
         + b_ref[...])
    h = jnp.maximum(h, 0.0)
    h1_ref[...] = h


def _tc2_body(h1_ref, aggp_ref, cnt_ref, wl_ref, wr_ref, b_ref,
              w3_ref, b3_ref, h2_ref, out_ref):
    cnt = cnt_ref[:, 0] + cnt_ref[:, 1]
    inv = 1.0 / jnp.maximum(cnt, 1.0)
    a0 = aggp_ref[0] * inv[:, None]
    a1 = aggp_ref[1] * inv[:, None]
    wl = wl_ref[...]
    h2 = (jnp.dot(a0, wl[:DIN], preferred_element_type=jnp.float32)
          + jnp.dot(a1, wl[DIN:], preferred_element_type=jnp.float32)
          + jnp.dot(h1_ref[...], wr_ref[...],
                    preferred_element_type=jnp.float32)
          + b_ref[...])
    h2_ref[...] = h2
    out_ref[...] = (jnp.dot(h2, w3_ref[...], preferred_element_type=jnp.float32)
                    + b3_ref[...])


def kernel(x, edge_index, W1l, W1r, b1, W2l, W2r, b2, W3, b3):
    src = edge_index[0].astype(jnp.int32)
    dst = edge_index[1].astype(jnp.int32)
    zpad = (jnp.arange(NPAD, dtype=jnp.int32) * 131) % N
    dpad = N + (jnp.arange(NPAD, dtype=jnp.int32) % NDUM)
    srcp = jnp.concatenate([src, zpad])
    dstp = jnp.concatenate([dst, dpad])
    src1 = srcp.reshape(NW * NB1, IB1, CHUNK)
    dst1 = dstp.reshape(NW * NB1, IB1, CHUNK)
    srcoff = jnp.concatenate(
        [2 * src, 2 * zpad, 2 * src + 1, 2 * zpad + 1]).reshape(
        NW * NB2, IB2, CHUNK)
    dst2 = dstp.reshape(NSUB * NB2, IB2, CHUNK)
    zf = jnp.zeros((N, DIN), jnp.float32)
    zc = jnp.zeros((N + NDUM,), jnp.float32)

    aggp1, cntp = _sc_agg1(x, src1, dst1, zf, zc)
    cnt_t = cntp[:, :N].T

    R = 400
    grid = (N // R,)
    h1 = pl.pallas_call(
        _tc1_body,
        grid=grid,
        in_specs=[
            pl.BlockSpec((R, DIN), lambda i: (i, 0)),
            pl.BlockSpec((NCORE, R, DIN), lambda i: (0, i, 0)),
            pl.BlockSpec((R, NCORE), lambda i: (i, 0)),
            pl.BlockSpec((DIN, DH), lambda i: (0, 0)),
            pl.BlockSpec((DIN, DH), lambda i: (0, 0)),
            pl.BlockSpec((1, DH), lambda i: (0, 0)),
        ],
        out_specs=pl.BlockSpec((R, DH), lambda i: (i, 0)),
        out_shape=jax.ShapeDtypeStruct((N, DH), jnp.float32),
    )(x, aggp1, cnt_t, W1l.T, W1r.T, b1[None, :])

    aggp2 = _sc_agg2(h1.reshape(NCORE * N, DIN), srcoff, dst2, zf)

    h2, outc = pl.pallas_call(
        _tc2_body,
        grid=grid,
        in_specs=[
            pl.BlockSpec((R, DH), lambda i: (i, 0)),
            pl.BlockSpec((NCORE, R, DIN), lambda i: (0, i, 0)),
            pl.BlockSpec((R, NCORE), lambda i: (i, 0)),
            pl.BlockSpec((DH, DH), lambda i: (0, 0)),
            pl.BlockSpec((DH, DH), lambda i: (0, 0)),
            pl.BlockSpec((1, DH), lambda i: (0, 0)),
            pl.BlockSpec((DH, 1), lambda i: (0, 0)),
            pl.BlockSpec((1, 1), lambda i: (0, 0)),
        ],
        out_specs=[
            pl.BlockSpec((R, DH), lambda i: (i, 0)),
            pl.BlockSpec((R, 1), lambda i: (i, 0)),
        ],
        out_shape=[
            jax.ShapeDtypeStruct((N, DH), jnp.float32),
            jax.ShapeDtypeStruct((N, 1), jnp.float32),
        ],
    )(h1, aggp2, cnt_t, W2l.T, W2r.T, b2[None, :], W3.T, b3[None, :])

    return (outc[:, 0], h1, h2)

# --- scband reference (transcript-rebuilt; emitter-appended) ---
"""Pipeline reference for scband-sage-one-hot-42150809043595 (READ-ONLY COPY).

The authoritative reference and input builder live on the scoring server;
editing this copy changes nothing except your own understanding.
"""

import jax, jax.numpy as jnp
import numpy as np

N = 10000
E = 320000
DIN = 128
DH = 256


def sage_conv(x, src, dst, Wl, Wr, b, num_nodes):
    # PyG SAGEConv (mean aggregation): out = lin_l(mean_{j->i} x_j) + lin_r(x_i)
    msgs = x[src]
    agg = jax.ops.segment_sum(msgs, dst, num_segments=num_nodes)
    cnt = jax.ops.segment_sum(jnp.ones((src.shape[0],), x.dtype), dst, num_segments=num_nodes)
    agg = agg / jnp.clip(cnt, 1.0)[:, None]
    return agg @ Wl.T + x @ Wr.T + b


def setup_inputs(seed: int = 0) -> dict:
    key = jax.random.key(seed)
    ks = jax.random.split(key, 12)
    x = jax.random.normal(ks[0], (N, DIN), dtype=jnp.float32)
    edge_index = jax.random.randint(ks[1], (2, E), 0, N, dtype=jnp.int64)

    def init_w(k, shape):
        fan_in = shape[1]
        return jax.random.uniform(k, shape, jnp.float32, -1.0, 1.0) / jnp.sqrt(fan_in)

    W1l = init_w(ks[2], (DH, DIN))
    W1r = init_w(ks[3], (DH, DIN))
    b1 = jnp.zeros((DH,), jnp.float32)
    W2l = init_w(ks[4], (DH, DH))
    W2r = init_w(ks[5], (DH, DH))
    b2 = jnp.zeros((DH,), jnp.float32)
    W3 = init_w(ks[6], (1, DH))
    b3 = jnp.zeros((1,), jnp.float32)
    return {"x": x, "edge_index": edge_index, "W1l": W1l, "W1r": W1r, "b1": b1,
            "W2l": W2l, "W2r": W2r, "b2": b2, "W3": W3, "b3": b3}


def reference(x, edge_index, W1l, W1r, b1, W2l, W2r, b2, W3, b3):
    src = edge_index[0]
    dst = edge_index[1]
    # layer 1 + in-place relu (embeddings store the relu'd tensor)
    h1 = sage_conv(x, src, dst, W1l, W1r, b1, N)
    h1 = jax.nn.relu(h1)
    # layer 2 (no relu on last conv)
    h2 = sage_conv(h1, src, dst, W2l, W2r, b2, N)
    out = (h2 @ W3.T + b3).squeeze(-1)
    return (out, h1, h2)

if __name__ == "__main__":
    import jax
    _d = setup_inputs()
    print(jax.jit(kernel)(*tuple(_d.values())))

</pallas_src>

<mosaic_0001>
#map = affine_map<(d0, d1) -> (0, 0)>
#map1 = affine_map<(d0, d1) -> (0, 0, 0)>
module attributes {stable_mosaic.version = 14 : i64} {
  func.func @_sc_agg2(%arg0: i32, %arg1: i32, %arg2: memref<20000x128xf32, #tpu.memory_space<hbm>>, %arg3: memref<160x32x128xi32, #tpu.memory_space<hbm>>, %arg4: memref<80x32x128xi32, #tpu.memory_space<hbm>>, %arg5: memref<10000x128xf32, #tpu.memory_space<hbm>>, %arg6: memref<2x10000x128xf32, #tpu.memory_space<hbm>>, %arg7: memref<32x128xi32, #tpu.memory_space<vmem>>, %arg8: memref<32x128xi32, #tpu.memory_space<vmem>>, %arg9: memref<128x128xf32, #tpu.memory_space<vmem>>, %arg10: memref<128x128xf32, #tpu.memory_space<vmem>>, %arg11: memref<10128x128xf32, #tpu.memory_space<vmem_shared>>, %arg12: memref<!tpu.dma_semaphore, #tpu.memory_space<semaphore_mem>>, %arg13: memref<!tpu.dma_semaphore, #tpu.memory_space<semaphore_mem>>) attributes {dimension_semantics = [#tpu.dimension_semantics<core_parallel>, #tpu.dimension_semantics<subcore_parallel>], iteration_bounds = array<i64: 2, 16>, scalar_prefetch = 0 : i64, scratch_operands = 7 : i64, tpu.core_type = #tpu.core_type<sc_vector_subcore>, window_params = [{transform_indices = #map}, {transform_indices = #map1}, {transform_indices = #map1}, {transform_indices = #map}, {transform_indices = #map1}]} {
    %mul3A = arith.constant 16 : i32
    %mul3A_0 = arith.muli %arg0, %mul3A : i32
    %add3A = arith.addi %mul3A_0, %arg1 : i32
    %mul3A_1 = arith.constant 624 : i32
    %mul3A_2 = arith.muli %arg1, %mul3A_1 : i32
    %mul3A_3 = arith.constant 624 : i32
    %mul3A_4 = arith.muli %arg1, %mul3A_3 : i32
    "tpu.region"() ({
      %run_scoped3A = tpu.sem_alloc : memref<!tpu.dma_semaphore, #tpu.memory_space<semaphore_mem>>
      %dma_start3A = arith.constant 0 : i32
      %dma_start3A_22 = tpu.memref_slice %arg11[%mul3A_4, %dma_start3A] : memref<10128x128xf32, #tpu.memory_space<vmem_shared>> -> memref<624x128xf32, #tpu.memory_space<vmem_shared>>
      %dma_start3A_23 = arith.constant 0 : i32
      %dma_start3A_24 = tpu.memref_slice %arg5[%mul3A_2, %dma_start3A_23] : memref<10000x128xf32, #tpu.memory_space<hbm>> -> memref<624x128xf32, #tpu.memory_space<hbm>>
      tpu.enqueue_dma source(%dma_start3A_24 : memref<624x128xf32, #tpu.memory_space<hbm>>) target(%dma_start3A_22 : memref<624x128xf32, #tpu.memory_space<vmem_shared>>) target_semaphore(%run_scoped3A : memref<!tpu.dma_semaphore, #tpu.memory_space<semaphore_mem>>)
      %dma_wait3A = arith.constant 0 : i32
      %dma_wait3A_25 = tpu.memref_slice %arg11[%mul3A_4, %dma_wait3A] : memref<10128x128xf32, #tpu.memory_space<vmem_shared>> -> memref<624x128xf32, #tpu.memory_space<vmem_shared>>
      %dma_wait3A_26 = arith.constant 0 : i32
      %dma_wait3A_27 = tpu.memref_slice %arg5[%mul3A_2, %dma_wait3A_26] : memref<10000x128xf32, #tpu.memory_space<hbm>> -> memref<624x128xf32, #tpu.memory_space<hbm>>
      tpu.wait_dma2 semaphore(%run_scoped3A : memref<!tpu.dma_semaphore, #tpu.memory_space<semaphore_mem>>) src(%dma_wait3A_27 : memref<624x128xf32, #tpu.memory_space<hbm>>) dst(%dma_wait3A_25 : memref<624x128xf32, #tpu.memory_space<vmem_shared>>)
      tpu.yield
    }) : () -> ()
    %eq3A = arith.constant 0 : i32
    %eq3A_5 = arith.cmpi eq, %arg1, %eq3A : i32
    %convert_element_type3A = arith.extui %eq3A_5 : i1 to i32
    %cond3A = arith.constant 0 : i32
    %cond3A_6 = arith.cmpi ne, %convert_element_type3A, %cond3A : i32
    scf.if %cond3A_6 {
      "tpu.region"() ({
        %run_scoped3A = tpu.sem_alloc : memref<!tpu.dma_semaphore, #tpu.memory_space<semaphore_mem>>
        %dma_start3A = arith.constant 9984 : i32
        %dma_start3A_22 = arith.constant 0 : i32
        %dma_start3A_23 = tpu.memref_slice %arg11[%dma_start3A, %dma_start3A_22] : memref<10128x128xf32, #tpu.memory_space<vmem_shared>> -> memref<16x128xf32, #tpu.memory_space<vmem_shared>>
        %dma_start3A_24 = arith.constant 9984 : i32
        %dma_start3A_25 = arith.constant 0 : i32
        %dma_start3A_26 = tpu.memref_slice %arg5[%dma_start3A_24, %dma_start3A_25] : memref<10000x128xf32, #tpu.memory_space<hbm>> -> memref<16x128xf32, #tpu.memory_space<hbm>>
        tpu.enqueue_dma source(%dma_start3A_26 : memref<16x128xf32, #tpu.memory_space<hbm>>) target(%dma_start3A_23 : memref<16x128xf32, #tpu.memory_space<vmem_shared>>) target_semaphore(%run_scoped3A : memref<!tpu.dma_semaphore, #tpu.memory_space<semaphore_mem>>)
        %dma_wait3A = arith.constant 9984 : i32
        %dma_wait3A_27 = arith.constant 0 : i32
        %dma_wait3A_28 = tpu.memref_slice %arg11[%dma_wait3A, %dma_wait3A_27] : memref<10128x128xf32, #tpu.memory_space<vmem_shared>> -> memref<16x128xf32, #tpu.memory_space<vmem_shared>>
        %dma_wait3A_29 = arith.constant 9984 : i32
        %dma_wait3A_30 = arith.constant 0 : i32
        %dma_wait3A_31 = tpu.memref_slice %arg5[%dma_wait3A_29, %dma_wait3A_30] : memref<10000x128xf32, #tpu.memory_space<hbm>> -> memref<16x128xf32, #tpu.memory_space<hbm>>
        tpu.wait_dma2 semaphore(%run_scoped3A : memref<!tpu.dma_semaphore, #tpu.memory_space<semaphore_mem>>) src(%dma_wait3A_31 : memref<16x128xf32, #tpu.memory_space<hbm>>) dst(%dma_wait3A_28 : memref<16x128xf32, #tpu.memory_space<vmem_shared>>)
        tpu.yield
      }) : () -> ()
    } else {
    }
    %barrier3A = arith.constant 0 : index
    tpu.barrier barrier_id(%barrier3A)
    %scan3A = arith.constant 0 : i32
    %scan3A_7 = arith.constant 0 : i32
    %scan3A_8 = arith.constant 5 : i32
    %scan3A_9 = arith.addi %scan3A_7, %scan3A_8 : i32
    %scan3A_10 = arith.constant 1 : i32
    scf.for %scan3A_22 = %scan3A_7 to %scan3A_9 step %scan3A_10  : i32 {
      %mul3A_23 = arith.constant 5 : i32
      %mul3A_24 = arith.muli %add3A, %mul3A_23 : i32
      %add3A_25 = arith.addi %mul3A_24, %scan3A_22 : i32
      "tpu.region"() ({
        %run_scoped3A_62 = tpu.sem_alloc : memref<!tpu.dma_semaphore, #tpu.memory_space<semaphore_mem>>
        %dma_start3A_63 = arith.constant 0 : i32
        %dma_start3A_64 = arith.constant 0 : i32
        %dma_start3A_65 = tpu.memref_slice %arg3[%add3A_25, %dma_start3A_63, %dma_start3A_64] : memref<160x32x128xi32, #tpu.memory_space<hbm>> -> memref<1x32x128xi32, #tpu.memory_space<hbm>>
        %dma_start3A_66 = tpu.memref_squeeze %dma_start3A_65 : memref<1x32x128xi32, #tpu.memory_space<hbm>> -> memref<32x128xi32, #tpu.memory_space<hbm>>
        %dma_start3A_67 = arith.constant 0 : i32
        %dma_start3A_68 = arith.constant 0 : i32
        %dma_start3A_69 = tpu.memref_slice %arg3[%add3A_25, %dma_start3A_67, %dma_start3A_68] : memref<160x32x128xi32, #tpu.memory_space<hbm>> -> memref<1x32x128xi32, #tpu.memory_space<hbm>>
        %dma_start3A_70 = tpu.memref_squeeze %dma_start3A_69 : memref<1x32x128xi32, #tpu.memory_space<hbm>> -> memref<32x128xi32, #tpu.memory_space<hbm>>
        tpu.enqueue_dma source(%dma_start3A_70 : memref<32x128xi32, #tpu.memory_space<hbm>>) target(%arg7 : memref<32x128xi32, #tpu.memory_space<vmem>>) target_semaphore(%run_scoped3A_62 : memref<!tpu.dma_semaphore, #tpu.memory_space<semaphore_mem>>)
        %dma_wait3A_71 = arith.constant 0 : i32
        %dma_wait3A_72 = arith.constant 0 : i32
        %dma_wait3A_73 = tpu.memref_slice %arg3[%add3A_25, %dma_wait3A_71, %dma_wait3A_72] : memref<160x32x128xi32, #tpu.memory_space<hbm>> -> memref<1x32x128xi32, #tpu.memory_space<hbm>>
        %dma_wait3A_74 = tpu.memref_squeeze %dma_wait3A_73 : memref<1x32x128xi32, #tpu.memory_space<hbm>> -> memref<32x128xi32, #tpu.memory_space<hbm>>
        %dma_wait3A_75 = arith.constant 0 : i32
        %dma_wait3A_76 = arith.constant 0 : i32
        %dma_wait3A_77 = tpu.memref_slice %arg3[%add3A_25, %dma_wait3A_75, %dma_wait3A_76] : memref<160x32x128xi32, #tpu.memory_space<hbm>> -> memref<1x32x128xi32, #tpu.memory_space<hbm>>
        %dma_wait3A_78 = tpu.memref_squeeze %dma_wait3A_77 : memref<1x32x128xi32, #tpu.memory_space<hbm>> -> memref<32x128xi32, #tpu.memory_space<hbm>>
        tpu.wait_dma2 semaphore(%run_scoped3A_62 : memref<!tpu.dma_semaphore, #tpu.memory_space<semaphore_mem>>) src(%dma_wait3A_78 : memref<32x128xi32, #tpu.memory_space<hbm>>) dst(%arg7 : memref<32x128xi32, #tpu.memory_space<vmem>>)
        tpu.yield
      }) : () -> ()
      %mul3A_26 = arith.constant 5 : i32
      %mul3A_27 = arith.muli %arg1, %mul3A_26 : i32
      %add3A_28 = arith.addi %mul3A_27, %scan3A_22 : i32
      "tpu.region"() ({
        %run_scoped3A_62 = tpu.sem_alloc : memref<!tpu.dma_semaphore, #tpu.memory_space<semaphore_mem>>
        %dma_start3A_63 = arith.constant 0 : i32
        %dma_start3A_64 = arith.constant 0 : i32
        %dma_start3A_65 = tpu.memref_slice %arg4[%add3A_28, %dma_start3A_63, %dma_start3A_64] : memref<80x32x128xi32, #tpu.memory_space<hbm>> -> memref<1x32x128xi32, #tpu.memory_space<hbm>>
        %dma_start3A_66 = tpu.memref_squeeze %dma_start3A_65 : memref<1x32x128xi32, #tpu.memory_space<hbm>> -> memref<32x128xi32, #tpu.memory_space<hbm>>
        %dma_start3A_67 = arith.constant 0 : i32
        %dma_start3A_68 = arith.constant 0 : i32
        %dma_start3A_69 = tpu.memref_slice %arg4[%add3A_28, %dma_start3A_67, %dma_start3A_68] : memref<80x32x128xi32, #tpu.memory_space<hbm>> -> memref<1x32x128xi32, #tpu.memory_space<hbm>>
        %dma_start3A_70 = tpu.memref_squeeze %dma_start3A_69 : memref<1x32x128xi32, #tpu.memory_space<hbm>> -> memref<32x128xi32, #tpu.memory_space<hbm>>
        tpu.enqueue_dma source(%dma_start3A_70 : memref<32x128xi32, #tpu.memory_space<hbm>>) target(%arg8 : memref<32x128xi32, #tpu.memory_space<vmem>>) target_semaphore(%run_scoped3A_62 : memref<!tpu.dma_semaphore, #tpu.memory_space<semaphore_mem>>)
        %dma_wait3A_71 = arith.constant 0 : i32
        %dma_wait3A_72 = arith.constant 0 : i32
        %dma_wait3A_73 = tpu.memref_slice %arg4[%add3A_28, %dma_wait3A_71, %dma_wait3A_72] : memref<80x32x128xi32, #tpu.memory_space<hbm>> -> memref<1x32x128xi32, #tpu.memory_space<hbm>>
        %dma_wait3A_74 = tpu.memref_squeeze %dma_wait3A_73 : memref<1x32x128xi32, #tpu.memory_space<hbm>> -> memref<32x128xi32, #tpu.memory_space<hbm>>
        %dma_wait3A_75 = arith.constant 0 : i32
        %dma_wait3A_76 = arith.constant 0 : i32
        %dma_wait3A_77 = tpu.memref_slice %arg4[%add3A_28, %dma_wait3A_75, %dma_wait3A_76] : memref<80x32x128xi32, #tpu.memory_space<hbm>> -> memref<1x32x128xi32, #tpu.memory_space<hbm>>
        %dma_wait3A_78 = tpu.memref_squeeze %dma_wait3A_77 : memref<1x32x128xi32, #tpu.memory_space<hbm>> -> memref<32x128xi32, #tpu.memory_space<hbm>>
        tpu.wait_dma2 semaphore(%run_scoped3A_62 : memref<!tpu.dma_semaphore, #tpu.memory_space<semaphore_mem>>) src(%dma_wait3A_78 : memref<32x128xi32, #tpu.memory_space<hbm>>) dst(%arg8 : memref<32x128xi32, #tpu.memory_space<vmem>>)
        tpu.yield
      }) : () -> ()
      %dma_start3A = arith.constant 0 : i32
      %dma_start3A_29 = arith.constant 0 : i32
      %dma_start3A_30 = tpu.memref_slice %arg7[%dma_start3A, %dma_start3A_29] : memref<32x128xi32, #tpu.memory_space<vmem>> -> memref<1x128xi32, #tpu.memory_space<vmem>>
      %dma_start3A_31 = tpu.memref_squeeze %dma_start3A_30 : memref<1x128xi32, #tpu.memory_space<vmem>> -> memref<128xi32, #tpu.memory_space<vmem>>
      %dma_start3A_32 = arith.constant 0 : i32
      %dma_start3A_33 = arith.constant 0 : i32
      %dma_start3A_34 = tpu.memref_slice %arg2[%dma_start3A_32, %dma_start3A_33] : memref<20000x128xf32, #tpu.memory_space<hbm>> -> memref<20000x128xf32, #tpu.memory_space<hbm>>
      tpu.enqueue_indirect_dma source(%dma_start3A_34 : memref<20000x128xf32, #tpu.memory_space<hbm>>) target(%arg9 : memref<128x128xf32, #tpu.memory_space<vmem>>) offsets(%dma_start3A_31 : memref<128xi32, #tpu.memory_space<vmem>>) semaphore(%arg12 : memref<!tpu.dma_semaphore, #tpu.memory_space<semaphore_mem>>)
      %dma_start3A_35 = arith.constant 1 : i32
      %dma_start3A_36 = arith.constant 0 : i32
      %dma_start3A_37 = tpu.memref_slice %arg7[%dma_start3A_35, %dma_start3A_36] : memref<32x128xi32, #tpu.memory_space<vmem>> -> memref<1x128xi32, #tpu.memory_space<vmem>>
      %dma_start3A_38 = tpu.memref_squeeze %dma_start3A_37 : memref<1x128xi32, #tpu.memory_space<vmem>> -> memref<128xi32, #tpu.memory_space<vmem>>
      %dma_start3A_39 = arith.constant 0 : i32
      %dma_start3A_40 = arith.constant 0 : i32
      %dma_start3A_41 = tpu.memref_slice %arg2[%dma_start3A_39, %dma_start3A_40] : memref<20000x128xf32, #tpu.memory_space<hbm>> -> memref<20000x128xf32, #tpu.memory_space<hbm>>
      tpu.enqueue_indirect_dma source(%dma_start3A_41 : memref<20000x128xf32, #tpu.memory_space<hbm>>) target(%arg10 : memref<128x128xf32, #tpu.memory_space<vmem>>) offsets(%dma_start3A_38 : memref<128xi32, #tpu.memory_space<vmem>>) semaphore(%arg13 : memref<!tpu.dma_semaphore, #tpu.memory_space<semaphore_mem>>)
      %scan3A_42 = arith.constant 0 : i32
      %scan3A_43 = arith.constant 0 : i32
      %scan3A_44 = arith.constant 15 : i32
      %scan3A_45 = arith.addi %scan3A_43, %scan3A_44 : i32
      %scan3A_46 = arith.constant 1 : i32
      scf.for %scan3A_62 = %scan3A_43 to %scan3A_45 step %scan3A_46  : i32 {
        %mul3A_63 = arith.constant 2 : i32
        %mul3A_64 = arith.muli %mul3A_63, %scan3A_62 : i32
        %dma_wait3A_65 = arith.constant 0 : i32
        %dma_wait3A_66 = tpu.memref_slice %arg7[%mul3A_64, %dma_wait3A_65] : memref<32x128xi32, #tpu.memory_space<vmem>> -> memref<1x128xi32, #tpu.memory_space<vmem>>
        %dma_wait3A_67 = tpu.memref_squeeze %dma_wait3A_66 : memref<1x128xi32, #tpu.memory_space<vmem>> -> memref<128xi32, #tpu.memory_space<vmem>>
        %dma_wait3A_68 = arith.constant 0 : i32
        %dma_wait3A_69 = arith.constant 0 : i32
        %dma_wait3A_70 = tpu.memref_slice %arg2[%dma_wait3A_68, %dma_wait3A_69] : memref<20000x128xf32, #tpu.memory_space<hbm>> -> memref<20000x128xf32, #tpu.memory_space<hbm>>
        tpu.wait_indirect_dma semaphore(%arg12 : memref<!tpu.dma_semaphore, #tpu.memory_space<semaphore_mem>>) src(%dma_wait3A_70 : memref<20000x128xf32, #tpu.memory_space<hbm>>) dst(%arg9 : memref<128x128xf32, #tpu.memory_space<vmem>>)
        "tpu.region"() ({
          %run_scoped3A_97 = tpu.sem_alloc : memref<!tpu.dma_semaphore, #tpu.memory_space<semaphore_mem>>
          %dma_start3A_98 = arith.constant 0 : i32
          %dma_start3A_99 = tpu.memref_slice %arg8[%mul3A_64, %dma_start3A_98] : memref<32x128xi32, #tpu.memory_space<vmem>> -> memref<1x128xi32, #tpu.memory_space<vmem>>
          %dma_start3A_100 = tpu.memref_squeeze %dma_start3A_99 : memref<1x128xi32, #tpu.memory_space<vmem>> -> memref<128xi32, #tpu.memory_space<vmem>>
          %dma_start3A_101 = arith.constant 0 : i32
          %dma_start3A_102 = arith.constant 0 : i32
          %dma_start3A_103 = tpu.memref_slice %arg11[%dma_start3A_101, %dma_start3A_102] : memref<10128x128xf32, #tpu.memory_space<vmem_shared>> -> memref<10128x128xf32, #tpu.memory_space<vmem_shared>>
          tpu.enqueue_indirect_dma source(%arg9 : memref<128x128xf32, #tpu.memory_space<vmem>>) target(%dma_start3A_103 : memref<10128x128xf32, #tpu.memory_space<vmem_shared>>) offsets(%dma_start3A_100 : memref<128xi32, #tpu.memory_space<vmem>>) semaphore(%run_scoped3A_97 : memref<!tpu.dma_semaphore, #tpu.memory_space<semaphore_mem>>) {add = true}
          %dma_wait3A_104 = arith.constant 0 : i32
          %dma_wait3A_105 = tpu.memref_slice %arg8[%mul3A_64, %dma_wait3A_104] : memref<32x128xi32, #tpu.memory_space<vmem>> -> memref<1x128xi32, #tpu.memory_space<vmem>>
          %dma_wait3A_106 = tpu.memref_squeeze %dma_wait3A_105 : memref<1x128xi32, #tpu.memory_space<vmem>> -> memref<128xi32, #tpu.memory_space<vmem>>
          %dma_wait3A_107 = arith.constant 0 : i32
          %dma_wait3A_108 = arith.constant 0 : i32
          %dma_wait3A_109 = tpu.memref_slice %arg11[%dma_wait3A_107, %dma_wait3A_108] : memref<10128x128xf32, #tpu.memory_space<vmem_shared>> -> memref<10128x128xf32, #tpu.memory_space<vmem_shared>>
          tpu.wait_indirect_dma semaphore(%run_scoped3A_97 : memref<!tpu.dma_semaphore, #tpu.memory_space<semaphore_mem>>) src(%arg9 : memref<128x128xf32, #tpu.memory_space<vmem>>) dst(%dma_wait3A_109 : memref<10128x128xf32, #tpu.memory_space<vmem_shared>>)
          tpu.yield
        }) : () -> ()
        %add3A_71 = arith.constant 2 : i32
        %add3A_72 = arith.addi %mul3A_64, %add3A_71 : i32
        %dma_start3A_73 = arith.constant 0 : i32
        %dma_start3A_74 = tpu.memref_slice %arg7[%add3A_72, %dma_start3A_73] : memref<32x128xi32, #tpu.memory_space<vmem>> -> memref<1x128xi32, #tpu.memory_space<vmem>>
        %dma_start3A_75 = tpu.memref_squeeze %dma_start3A_74 : memref<1x128xi32, #tpu.memory_space<vmem>> -> memref<128xi32, #tpu.memory_space<vmem>>
        %dma_start3A_76 = arith.constant 0 : i32
        %dma_start3A_77 = arith.constant 0 : i32
        %dma_start3A_78 = tpu.memref_slice %arg2[%dma_start3A_76, %dma_start3A_77] : memref<20000x128xf32, #tpu.memory_space<hbm>> -> memref<20000x128xf32, #tpu.memory_space<hbm>>
        tpu.enqueue_indirect_dma source(%dma_start3A_78 : memref<20000x128xf32, #tpu.memory_space<hbm>>) target(%arg9 : memref<128x128xf32, #tpu.memory_space<vmem>>) offsets(%dma_start3A_75 : memref<128xi32, #tpu.memory_space<vmem>>) semaphore(%arg12 : memref<!tpu.dma_semaphore, #tpu.memory_space<semaphore_mem>>)
        %add3A_79 = arith.constant 1 : i32
        %add3A_80 = arith.addi %mul3A_64, %add3A_79 : i32
        %dma_wait3A_81 = arith.constant 0 : i32
        %dma_wait3A_82 = tpu.memref_slice %arg7[%add3A_80, %dma_wait3A_81] : memref<32x128xi32, #tpu.memory_space<vmem>> -> memref<1x128xi32, #tpu.memory_space<vmem>>
        %dma_wait3A_83 = tpu.memref_squeeze %dma_wait3A_82 : memref<1x128xi32, #tpu.memory_space<vmem>> -> memref<128xi32, #tpu.memory_space<vmem>>
        %dma_wait3A_84 = arith.constant 0 : i32
        %dma_wait3A_85 = arith.constant 0 : i32
        %dma_wait3A_86 = tpu.memref_slice %arg2[%dma_wait3A_84, %dma_wait3A_85] : memref<20000x128xf32, #tpu.memory_space<hbm>> -> memref<20000x128xf32, #tpu.memory_space<hbm>>
        tpu.wait_indirect_dma semaphore(%arg13 : memref<!tpu.dma_semaphore, #tpu.memory_space<semaphore_mem>>) src(%dma_wait3A_86 : memref<20000x128xf32, #tpu.memory_space<hbm>>) dst(%arg10 : memref<128x128xf32, #tpu.memory_space<vmem>>)
        %add3A_87 = arith.constant 1 : i32
        %add3A_88 = arith.addi %mul3A_64, %add3A_87 : i32
        "tpu.region"() ({
          %run_scoped3A_97 = tpu.sem_alloc : memref<!tpu.dma_semaphore, #tpu.memory_space<semaphore_mem>>
          %dma_start3A_98 = arith.constant 0 : i32
          %dma_start3A_99 = tpu.memref_slice %arg8[%add3A_88, %dma_start3A_98] : memref<32x128xi32, #tpu.memory_space<vmem>> -> memref<1x128xi32, #tpu.memory_space<vmem>>
          %dma_start3A_100 = tpu.memref_squeeze %dma_start3A_99 : memref<1x128xi32, #tpu.memory_space<vmem>> -> memref<128xi32, #tpu.memory_space<vmem>>
          %dma_start3A_101 = arith.constant 0 : i32
          %dma_start3A_102 = arith.constant 0 : i32
          %dma_start3A_103 = tpu.memref_slice %arg11[%dma_start3A_101, %dma_start3A_102] : memref<10128x128xf32, #tpu.memory_space<vmem_shared>> -> memref<10128x128xf32, #tpu.memory_space<vmem_shared>>
          tpu.enqueue_indirect_dma source(%arg10 : memref<128x128xf32, #tpu.memory_space<vmem>>) target(%dma_start3A_103 : memref<10128x128xf32, #tpu.memory_space<vmem_shared>>) offsets(%dma_start3A_100 : memref<128xi32, #tpu.memory_space<vmem>>) semaphore(%run_scoped3A_97 : memref<!tpu.dma_semaphore, #tpu.memory_space<semaphore_mem>>) {add = true}
          %dma_wait3A_104 = arith.constant 0 : i32
          %dma_wait3A_105 = tpu.memref_slice %arg8[%add3A_88, %dma_wait3A_104] : memref<32x128xi32, #tpu.memory_space<vmem>> -> memref<1x128xi32, #tpu.memory_space<vmem>>
          %dma_wait3A_106 = tpu.memref_squeeze %dma_wait3A_105 : memref<1x128xi32, #tpu.memory_space<vmem>> -> memref<128xi32, #tpu.memory_space<vmem>>
          %dma_wait3A_107 = arith.constant 0 : i32
          %dma_wait3A_108 = arith.constant 0 : i32
          %dma_wait3A_109 = tpu.memref_slice %arg11[%dma_wait3A_107, %dma_wait3A_108] : memref<10128x128xf32, #tpu.memory_space<vmem_shared>> -> memref<10128x128xf32, #tpu.memory_space<vmem_shared>>
          tpu.wait_indirect_dma semaphore(%run_scoped3A_97 : memref<!tpu.dma_semaphore, #tpu.memory_space<semaphore_mem>>) src(%arg10 : memref<128x128xf32, #tpu.memory_space<vmem>>) dst(%dma_wait3A_109 : memref<10128x128xf32, #tpu.memory_space<vmem_shared>>)
          tpu.yield
        }) : () -> ()
        %add3A_89 = arith.constant 3 : i32
        %add3A_90 = arith.addi %mul3A_64, %add3A_89 : i32
        %dma_start3A_91 = arith.constant 0 : i32
        %dma_start3A_92 = tpu.memref_slice %arg7[%add3A_90, %dma_start3A_91] : memref<32x128xi32, #tpu.memory_space<vmem>> -> memref<1x128xi32, #tpu.memory_space<vmem>>
        %dma_start3A_93 = tpu.memref_squeeze %dma_start3A_92 : memref<1x128xi32, #tpu.memory_space<vmem>> -> memref<128xi32, #tpu.memory_space<vmem>>
        %dma_start3A_94 = arith.constant 0 : i32
        %dma_start3A_95 = arith.constant 0 : i32
        %dma_start3A_96 = tpu.memref_slice %arg2[%dma_start3A_94, %dma_start3A_95] : memref<20000x128xf32, #tpu.memory_space<hbm>> -> memref<20000x128xf32, #tpu.memory_space<hbm>>
        tpu.enqueue_indirect_dma source(%dma_start3A_96 : memref<20000x128xf32, #tpu.memory_space<hbm>>) target(%arg10 : memref<128x128xf32, #tpu.memory_space<vmem>>) offsets(%dma_start3A_93 : memref<128xi32, #tpu.memory_space<vmem>>) semaphore(%arg13 : memref<!tpu.dma_semaphore, #tpu.memory_space<semaphore_mem>>)
      }
      %scan3A_47 = arith.constant 15 : i32
      %dma_wait3A = arith.constant 30 : i32
      %dma_wait3A_48 = arith.constant 0 : i32
      %dma_wait3A_49 = tpu.memref_slice %arg7[%dma_wait3A, %dma_wait3A_48] : memref<32x128xi32, #tpu.memory_space<vmem>> -> memref<1x128xi32, #tpu.memory_space<vmem>>
      %dma_wait3A_50 = tpu.memref_squeeze %dma_wait3A_49 : memref<1x128xi32, #tpu.memory_space<vmem>> -> memref<128xi32, #tpu.memory_space<vmem>>
      %dma_wait3A_51 = arith.constant 0 : i32
      %dma_wait3A_52 = arith.constant 0 : i32
      %dma_wait3A_53 = tpu.memref_slice %arg2[%dma_wait3A_51, %dma_wait3A_52] : memref<20000x128xf32, #tpu.memory_space<hbm>> -> memref<20000x128xf32, #tpu.memory_space<hbm>>
      tpu.wait_indirect_dma semaphore(%arg12 : memref<!tpu.dma_semaphore, #tpu.memory_space<semaphore_mem>>) src(%dma_wait3A_53 : memref<20000x128xf32, #tpu.memory_space<hbm>>) dst(%arg9 : memref<128x128xf32, #tpu.memory_space<vmem>>)
      %run_scoped3A = arith.constant 30 : i32
      "tpu.region"() ({
        %run_scoped3A_62 = tpu.sem_alloc : memref<!tpu.dma_semaphore, #tpu.memory_space<semaphore_mem>>
        %dma_start3A_63 = arith.constant 0 : i32
        %dma_start3A_64 = tpu.memref_slice %arg8[%run_scoped3A, %dma_start3A_63] : memref<32x128xi32, #tpu.memory_space<vmem>> -> memref<1x128xi32, #tpu.memory_space<vmem>>
        %dma_start3A_65 = tpu.memref_squeeze %dma_start3A_64 : memref<1x128xi32, #tpu.memory_space<vmem>> -> memref<128xi32, #tpu.memory_space<vmem>>
        %dma_start3A_66 = arith.constant 0 : i32
        %dma_start3A_67 = arith.constant 0 : i32
        %dma_start3A_68 = tpu.memref_slice %arg11[%dma_start3A_66, %dma_start3A_67] : memref<10128x128xf32, #tpu.memory_space<vmem_shared>> -> memref<10128x128xf32, #tpu.memory_space<vmem_shared>>
        tpu.enqueue_indirect_dma source(%arg9 : memref<128x128xf32, #tpu.memory_space<vmem>>) target(%dma_start3A_68 : memref<10128x128xf32, #tpu.memory_space<vmem_shared>>) offsets(%dma_start3A_65 : memref<128xi32, #tpu.memory_space<vmem>>) semaphore(%run_scoped3A_62 : memref<!tpu.dma_semaphore, #tpu.memory_space<semaphore_mem>>) {add = true}
        %dma_wait3A_69 = arith.constant 0 : i32
        %dma_wait3A_70 = tpu.memref_slice %arg8[%run_scoped3A, %dma_wait3A_69] : memref<32x128xi32, #tpu.memory_space<vmem>> -> memref<1x128xi32, #tpu.memory_space<vmem>>
        %dma_wait3A_71 = tpu.memref_squeeze %dma_wait3A_70 : memref<1x128xi32, #tpu.memory_space<vmem>> -> memref<128xi32, #tpu.memory_space<vmem>>
        %dma_wait3A_72 = arith.constant 0 : i32
        %dma_wait3A_73 = arith.constant 0 : i32
        %dma_wait3A_74 = tpu.memref_slice %arg11[%dma_wait3A_72, %dma_wait3A_73] : memref<10128x128xf32, #tpu.memory_space<vmem_shared>> -> memref<10128x128xf32, #tpu.memory_space<vmem_shared>>
        tpu.wait_indirect_dma semaphore(%run_scoped3A_62 : memref<!tpu.dma_semaphore, #tpu.memory_space<semaphore_mem>>) src(%arg9 : memref<128x128xf32, #tpu.memory_space<vmem>>) dst(%dma_wait3A_74 : memref<10128x128xf32, #tpu.memory_space<vmem_shared>>)
        tpu.yield
      }) : () -> ()
      %dma_wait3A_54 = arith.constant 31 : i32
      %dma_wait3A_55 = arith.constant 0 : i32
      %dma_wait3A_56 = tpu.memref_slice %arg7[%dma_wait3A_54, %dma_wait3A_55] : memref<32x128xi32, #tpu.memory_space<vmem>> -> memref<1x128xi32, #tpu.memory_space<vmem>>
      %dma_wait3A_57 = tpu.memref_squeeze %dma_wait3A_56 : memref<1x128xi32, #tpu.memory_space<vmem>> -> memref<128xi32, #tpu.memory_space<vmem>>
      %dma_wait3A_58 = arith.constant 0 : i32
      %dma_wait3A_59 = arith.constant 0 : i32
      %dma_wait3A_60 = tpu.memref_slice %arg2[%dma_wait3A_58, %dma_wait3A_59] : memref<20000x128xf32, #tpu.memory_space<hbm>> -> memref<20000x128xf32, #tpu.memory_space<hbm>>
      tpu.wait_indirect_dma semaphore(%arg13 : memref<!tpu.dma_semaphore, #tpu.memory_space<semaphore_mem>>) src(%dma_wait3A_60 : memref<20000x128xf32, #tpu.memory_space<hbm>>) dst(%arg10 : memref<128x128xf32, #tpu.memory_space<vmem>>)
      %run_scoped3A_61 = arith.constant 31 : i32
      "tpu.region"() ({
        %run_scoped3A_62 = tpu.sem_alloc : memref<!tpu.dma_semaphore, #tpu.memory_space<semaphore_mem>>
        %dma_start3A_63 = arith.constant 0 : i32
        %dma_start3A_64 = tpu.memref_slice %arg8[%run_scoped3A_61, %dma_start3A_63] : memref<32x128xi32, #tpu.memory_space<vmem>> -> memref<1x128xi32, #tpu.memory_space<vmem>>
        %dma_start3A_65 = tpu.memref_squeeze %dma_start3A_64 : memref<1x128xi32, #tpu.memory_space<vmem>> -> memref<128xi32, #tpu.memory_space<vmem>>
        %dma_start3A_66 = arith.constant 0 : i32
        %dma_start3A_67 = arith.constant 0 : i32
        %dma_start3A_68 = tpu.memref_slice %arg11[%dma_start3A_66, %dma_start3A_67] : memref<10128x128xf32, #tpu.memory_space<vmem_shared>> -> memref<10128x128xf32, #tpu.memory_space<vmem_shared>>
        tpu.enqueue_indirect_dma source(%arg10 : memref<128x128xf32, #tpu.memory_space<vmem>>) target(%dma_start3A_68 : memref<10128x128xf32, #tpu.memory_space<vmem_shared>>) offsets(%dma_start3A_65 : memref<128xi32, #tpu.memory_space<vmem>>) semaphore(%run_scoped3A_62 : memref<!tpu.dma_semaphore, #tpu.memory_space<semaphore_mem>>) {add = true}
        %dma_wait3A_69 = arith.constant 0 : i32
        %dma_wait3A_70 = tpu.memref_slice %arg8[%run_scoped3A_61, %dma_wait3A_69] : memref<32x128xi32, #tpu.memory_space<vmem>> -> memref<1x128xi32, #tpu.memory_space<vmem>>
        %dma_wait3A_71 = tpu.memref_squeeze %dma_wait3A_70 : memref<1x128xi32, #tpu.memory_space<vmem>> -> memref<128xi32, #tpu.memory_space<vmem>>
        %dma_wait3A_72 = arith.constant 0 : i32
        %dma_wait3A_73 = arith.constant 0 : i32
        %dma_wait3A_74 = tpu.memref_slice %arg11[%dma_wait3A_72, %dma_wait3A_73] : memref<10128x128xf32, #tpu.memory_space<vmem_shared>> -> memref<10128x128xf32, #tpu.memory_space<vmem_shared>>
        tpu.wait_indirect_dma semaphore(%run_scoped3A_62 : memref<!tpu.dma_semaphore, #tpu.memory_space<semaphore_mem>>) src(%arg10 : memref<128x128xf32, #tpu.memory_space<vmem>>) dst(%dma_wait3A_74 : memref<10128x128xf32, #tpu.memory_space<vmem_shared>>)
        tpu.yield
      }) : () -> ()
    }
    %scan3A_11 = arith.constant 5 : i32
    %barrier3A_12 = arith.constant 0 : index
    tpu.barrier barrier_id(%barrier3A_12)
    %mul3A_13 = arith.constant 624 : i32
    %mul3A_14 = arith.muli %arg1, %mul3A_13 : i32
    %mul3A_15 = arith.constant 624 : i32
    %mul3A_16 = arith.muli %arg1, %mul3A_15 : i32
    "tpu.region"() ({
      %run_scoped3A = tpu.sem_alloc : memref<!tpu.dma_semaphore, #tpu.memory_space<semaphore_mem>>
      %dma_start3A = arith.constant 0 : i32
      %dma_start3A_22 = tpu.memref_slice %arg6[%arg0, %mul3A_16, %dma_start3A] : memref<2x10000x128xf32, #tpu.memory_space<hbm>> -> memref<1x624x128xf32, #tpu.memory_space<hbm>>
      %dma_start3A_23 = tpu.memref_squeeze %dma_start3A_22 : memref<1x624x128xf32, #tpu.memory_space<hbm>> -> memref<624x128xf32, #tpu.memory_space<hbm>>
      %dma_start3A_24 = arith.constant 0 : i32
      %dma_start3A_25 = tpu.memref_slice %arg11[%mul3A_14, %dma_start3A_24] : memref<10128x128xf32, #tpu.memory_space<vmem_shared>> -> memref<624x128xf32, #tpu.memory_space<vmem_shared>>
      tpu.enqueue_dma source(%dma_start3A_25 : memref<624x128xf32, #tpu.memory_space<vmem_shared>>) target(%dma_start3A_23 : memref<624x128xf32, #tpu.memory_space<hbm>>) target_semaphore(%run_scoped3A : memref<!tpu.dma_semaphore, #tpu.memory_space<semaphore_mem>>)
      %dma_wait3A = arith.constant 0 : i32
      %dma_wait3A_26 = tpu.memref_slice %arg6[%arg0, %mul3A_16, %dma_wait3A] : memref<2x10000x128xf32, #tpu.memory_space<hbm>> -> memref<1x624x128xf32, #tpu.memory_space<hbm>>
      %dma_wait3A_27 = tpu.memref_squeeze %dma_wait3A_26 : memref<1x624x128xf32, #tpu.memory_space<hbm>> -> memref<624x128xf32, #tpu.memory_space<hbm>>
      %dma_wait3A_28 = arith.constant 0 : i32
      %dma_wait3A_29 = tpu.memref_slice %arg11[%mul3A_14, %dma_wait3A_28] : memref<10128x128xf32, #tpu.memory_space<vmem_shared>> -> memref<624x128xf32, #tpu.memory_space<vmem_shared>>
      tpu.wait_dma2 semaphore(%run_scoped3A : memref<!tpu.dma_semaphore, #tpu.memory_space<semaphore_mem>>) src(%dma_wait3A_29 : memref<624x128xf32, #tpu.memory_space<vmem_shared>>) dst(%dma_wait3A_27 : memref<624x128xf32, #tpu.memory_space<hbm>>)
      tpu.yield
    }) : () -> ()
    %eq3A_17 = arith.constant 0 : i32
    %eq3A_18 = arith.cmpi eq, %arg1, %eq3A_17 : i32
    %convert_element_type3A_19 = arith.extui %eq3A_18 : i1 to i32
    %cond3A_20 = arith.constant 0 : i32
    %cond3A_21 = arith.cmpi ne, %convert_element_type3A_19, %cond3A_20 : i32
    scf.if %cond3A_21 {
      "tpu.region"() ({
        %run_scoped3A = tpu.sem_alloc : memref<!tpu.dma_semaphore, #tpu.memory_space<semaphore_mem>>
        %dma_start3A = arith.constant 9984 : i32
        %dma_start3A_22 = arith.constant 0 : i32
        %dma_start3A_23 = tpu.memref_slice %arg6[%arg0, %dma_start3A, %dma_start3A_22] : memref<2x10000x128xf32, #tpu.memory_space<hbm>> -> memref<1x16x128xf32, #tpu.memory_space<hbm>>
        %dma_start3A_24 = tpu.memref_squeeze %dma_start3A_23 : memref<1x16x128xf32, #tpu.memory_space<hbm>> -> memref<16x128xf32, #tpu.memory_space<hbm>>
        %dma_start3A_25 = arith.constant 9984 : i32
        %dma_start3A_26 = arith.constant 0 : i32
        %dma_start3A_27 = tpu.memref_slice %arg11[%dma_start3A_25, %dma_start3A_26] : memref<10128x128xf32, #tpu.memory_space<vmem_shared>> -> memref<16x128xf32, #tpu.memory_space<vmem_shared>>
        tpu.enqueue_dma source(%dma_start3A_27 : memref<16x128xf32, #tpu.memory_space<vmem_shared>>) target(%dma_start3A_24 : memref<16x128xf32, #tpu.memory_space<hbm>>) target_semaphore(%run_scoped3A : memref<!tpu.dma_semaphore, #tpu.memory_space<semaphore_mem>>)
        %dma_wait3A = arith.constant 9984 : i32
        %dma_wait3A_28 = arith.constant 0 : i32
        %dma_wait3A_29 = tpu.memref_slice %arg6[%arg0, %dma_wait3A, %dma_wait3A_28] : memref<2x10000x128xf32, #tpu.memory_space<hbm>> -> memref<1x16x128xf32, #tpu.memory_space<hbm>>
        %dma_wait3A_30 = tpu.memref_squeeze %dma_wait3A_29 : memref<1x16x128xf32, #tpu.memory_space<hbm>> -> memref<16x128xf32, #tpu.memory_space<hbm>>
        %dma_wait3A_31 = arith.constant 9984 : i32
        %dma_wait3A_32 = arith.constant 0 : i32
        %dma_wait3A_33 = tpu.memref_slice %arg11[%dma_wait3A_31, %dma_wait3A_32] : memref<10128x128xf32, #tpu.memory_space<vmem_shared>> -> memref<16x128xf32, #tpu.memory_space<vmem_shared>>
        tpu.wait_dma2 semaphore(%run_scoped3A : memref<!tpu.dma_semaphore, #tpu.memory_space<semaphore_mem>>) src(%dma_wait3A_33 : memref<16x128xf32, #tpu.memory_space<vmem_shared>>) dst(%dma_wait3A_30 : memref<16x128xf32, #tpu.memory_space<hbm>>)
        tpu.yield
      }) : () -> ()
    } else {
    }
    return
  }
}

#map = affine_map<(d0, d1) -> (0, 0)>
#map1 = affine_map<(d0, d1) -> (0, 0, 0)>
#map2 = affine_map<(d0, d1) -> (0)>
module attributes {stable_mosaic.version = 14 : i64} {
  func.func @_sc_agg1(%arg0: i32, %arg1: i32, %arg2: memref<10000x128xf32, #tpu.memory_space<hbm>>, %arg3: memref<160x16x128xi32, #tpu.memory_space<hbm>>, %arg4: memref<160x16x128xi32, #tpu.memory_space<hbm>>, %arg5: memref<10000x128xf32, #tpu.memory_space<hbm>>, %arg6: memref<10128xf32, #tpu.memory_space<hbm>>, %arg7: memref<2x10000x128xf32, #tpu.memory_space<hbm>>, %arg8: memref<2x10128xf32, #tpu.memory_space<hbm>>, %arg9: memref<16x128xi32, #tpu.memory_space<vmem>>, %arg10: memref<16x128xi32, #tpu.memory_space<vmem>>, %arg11: memref<128x128xf32, #tpu.memory_space<vmem>>, %arg12: memref<128x128xf32, #tpu.memory_space<vmem>>, %arg13: memref<128xf32, #tpu.memory_space<vmem>>, %arg14: memref<10128x128xf32, #tpu.memory_space<vmem_shared>>, %arg15: memref<10128xf32, #tpu.memory_space<vmem_shared>>, %arg16: memref<!tpu.dma_semaphore, #tpu.memory_space<semaphore_mem>>, %arg17: memref<!tpu.dma_semaphore, #tpu.memory_space<semaphore_mem>>, %arg18: memref<!tpu.dma_semaphore, #tpu.memory_space<semaphore_mem>>) attributes {dimension_semantics = [#tpu.dimension_semantics<core_parallel>, #tpu.dimension_semantics<subcore_parallel>], iteration_bounds = array<i64: 2, 16>, scalar_prefetch = 0 : i64, scratch_operands = 10 : i64, tpu.core_type = #tpu.core_type<sc_vector_subcore>, window_params = [{transform_indices = #map}, {transform_indices = #map1}, {transform_indices = #map1}, {transform_indices = #map}, {transform_indices = #map2}, {transform_indices = #map1}, {transform_indices = #map}]} {
    %mul3A = arith.constant 16 : i32
    %mul3A_0 = arith.muli %arg0, %mul3A : i32
    %add3A = arith.addi %mul3A_0, %arg1 : i32
    %broadcast_in_dim3A = arith.constant 1.000000e+00 : f32
    %broadcast_in_dim3A_1 = vector.broadcast %broadcast_in_dim3A : f32 to vector<16xf32>
    %swap3A = arith.constant 0 : index
    %swap3A_2 = tpu.vector_load %arg13[%swap3A] {strides = array<i32>} : memref<128xf32, #tpu.memory_space<vmem>>, vector<16xf32>,
    %swap3A_3 = vector.shape_cast %swap3A_2 : vector<16xf32> to vector<16xf32>
    %swap3A_4 = vector.shape_cast %broadcast_in_dim3A_1 : vector<16xf32> to vector<16xf32>
    tpu.vector_store %arg13[%swap3A], %swap3A_4 {strides = array<i32>} : memref<128xf32, #tpu.memory_space<vmem>>, vector<16xf32>,
    %broadcast_in_dim3A_5 = arith.constant 1.000000e+00 : f32
    %broadcast_in_dim3A_6 = vector.broadcast %broadcast_in_dim3A_5 : f32 to vector<16xf32>
    %swap3A_7 = arith.constant 16 : index
    %swap3A_8 = tpu.vector_load %arg13[%swap3A_7] {strides = array<i32>} : memref<128xf32, #tpu.memory_space<vmem>>, vector<16xf32>,
    %swap3A_9 = vector.shape_cast %swap3A_8 : vector<16xf32> to vector<16xf32>
    %swap3A_10 = vector.shape_cast %broadcast_in_dim3A_6 : vector<16xf32> to vector<16xf32>
    tpu.vector_store %arg13[%swap3A_7], %swap3A_10 {strides = array<i32>} : memref<128xf32, #tpu.memory_space<vmem>>, vector<16xf32>,
    %broadcast_in_dim3A_11 = arith.constant 1.000000e+00 : f32
    %broadcast_in_dim3A_12 = vector.broadcast %broadcast_in_dim3A_11 : f32 to vector<16xf32>
    %swap3A_13 = arith.constant 32 : index
    %swap3A_14 = tpu.vector_load %arg13[%swap3A_13] {strides = array<i32>} : memref<128xf32, #tpu.memory_space<vmem>>, vector<16xf32>,
    %swap3A_15 = vector.shape_cast %swap3A_14 : vector<16xf32> to vector<16xf32>
    %swap3A_16 = vector.shape_cast %broadcast_in_dim3A_12 : vector<16xf32> to vector<16xf32>
    tpu.vector_store %arg13[%swap3A_13], %swap3A_16 {strides = array<i32>} : memref<128xf32, #tpu.memory_space<vmem>>, vector<16xf32>,
    %broadcast_in_dim3A_17 = arith.constant 1.000000e+00 : f32
    %broadcast_in_dim3A_18 = vector.broadcast %broadcast_in_dim3A_17 : f32 to vector<16xf32>
    %swap3A_19 = arith.constant 48 : index
    %swap3A_20 = tpu.vector_load %arg13[%swap3A_19] {strides = array<i32>} : memref<128xf32, #tpu.memory_space<vmem>>, vector<16xf32>,
    %swap3A_21 = vector.shape_cast %swap3A_20 : vector<16xf32> to vector<16xf32>
    %swap3A_22 = vector.shape_cast %broadcast_in_dim3A_18 : vector<16xf32> to vector<16xf32>
    tpu.vector_store %arg13[%swap3A_19], %swap3A_22 {strides = array<i32>} : memref<128xf32, #tpu.memory_space<vmem>>, vector<16xf32>,
    %broadcast_in_dim3A_23 = arith.constant 1.000000e+00 : f32
    %broadcast_in_dim3A_24 = vector.broadcast %broadcast_in_dim3A_23 : f32 to vector<16xf32>
    %swap3A_25 = arith.constant 64 : index
    %swap3A_26 = tpu.vector_load %arg13[%swap3A_25] {strides = array<i32>} : memref<128xf32, #tpu.memory_space<vmem>>, vector<16xf32>,
    %swap3A_27 = vector.shape_cast %swap3A_26 : vector<16xf32> to vector<16xf32>
    %swap3A_28 = vector.shape_cast %broadcast_in_dim3A_24 : vector<16xf32> to vector<16xf32>
    tpu.vector_store %arg13[%swap3A_25], %swap3A_28 {strides = array<i32>} : memref<128xf32, #tpu.memory_space<vmem>>, vector<16xf32>,
    %broadcast_in_dim3A_29 = arith.constant 1.000000e+00 : f32
    %broadcast_in_dim3A_30 = vector.broadcast %broadcast_in_dim3A_29 : f32 to vector<16xf32>
    %swap3A_31 = arith.constant 80 : index
    %swap3A_32 = tpu.vector_load %arg13[%swap3A_31] {strides = array<i32>} : memref<128xf32, #tpu.memory_space<vmem>>, vector<16xf32>,
    %swap3A_33 = vector.shape_cast %swap3A_32 : vector<16xf32> to vector<16xf32>
    %swap3A_34 = vector.shape_cast %broadcast_in_dim3A_30 : vector<16xf32> to vector<16xf32>
    tpu.vector_store %arg13[%swap3A_31], %swap3A_34 {strides = array<i32>} : memref<128xf32, #tpu.memory_space<vmem>>, vector<16xf32>,
    %broadcast_in_dim3A_35 = arith.constant 1.000000e+00 : f32
    %broadcast_in_dim3A_36 = vector.broadcast %broadcast_in_dim3A_35 : f32 to vector<16xf32>
    %swap3A_37 = arith.constant 96 : index
    %swap3A_38 = tpu.vector_load %arg13[%swap3A_37] {strides = array<i32>} : memref<128xf32, #tpu.memory_space<vmem>>, vector<16xf32>,
    %swap3A_39 = vector.shape_cast %swap3A_38 : vector<16xf32> to vector<16xf32>
    %swap3A_40 = vector.shape_cast %broadcast_in_dim3A_36 : vector<16xf32> to vector<16xf32>
    tpu.vector_store %arg13[%swap3A_37], %swap3A_40 {strides = array<i32>} : memref<128xf32, #tpu.memory_space<vmem>>, vector<16xf32>,
    %broadcast_in_dim3A_41 = arith.constant 1.000000e+00 : f32
    %broadcast_in_dim3A_42 = vector.broadcast %broadcast_in_dim3A_41 : f32 to vector<16xf32>
    %swap3A_43 = arith.constant 112 : index
    %swap3A_44 = tpu.vector_load %arg13[%swap3A_43] {strides = array<i32>} : memref<128xf32, #tpu.memory_space<vmem>>, vector<16xf32>,
    %swap3A_45 = vector.shape_cast %swap3A_44 : vector<16xf32> to vector<16xf32>
    %swap3A_46 = vector.shape_cast %broadcast_in_dim3A_42 : vector<16xf32> to vector<16xf32>
    tpu.vector_store %arg13[%swap3A_43], %swap3A_46 {strides = array<i32>} : memref<128xf32, #tpu.memory_space<vmem>>, vector<16xf32>,
    %mul3A_47 = arith.constant 624 : i32
    %mul3A_48 = arith.muli %arg1, %mul3A_47 : i32
    %mul3A_49 = arith.constant 624 : i32
    %mul3A_50 = arith.muli %arg1, %mul3A_49 : i32
    "tpu.region"() ({
      %run_scoped3A = tpu.sem_alloc : memref<!tpu.dma_semaphore, #tpu.memory_space<semaphore_mem>>
      %dma_start3A = arith.constant 0 : i32
      %dma_start3A_78 = tpu.memref_slice %arg14[%mul3A_50, %dma_start3A] : memref<10128x128xf32, #tpu.memory_space<vmem_shared>> -> memref<624x128xf32, #tpu.memory_space<vmem_shared>>
      %dma_start3A_79 = arith.constant 0 : i32
      %dma_start3A_80 = tpu.memref_slice %arg5[%mul3A_48, %dma_start3A_79] : memref<10000x128xf32, #tpu.memory_space<hbm>> -> memref<624x128xf32, #tpu.memory_space<hbm>>
      tpu.enqueue_dma source(%dma_start3A_80 : memref<624x128xf32, #tpu.memory_space<hbm>>) target(%dma_start3A_78 : memref<624x128xf32, #tpu.memory_space<vmem_shared>>) target_semaphore(%run_scoped3A : memref<!tpu.dma_semaphore, #tpu.memory_space<semaphore_mem>>)
      %dma_wait3A = arith.constant 0 : i32
      %dma_wait3A_81 = tpu.memref_slice %arg14[%mul3A_50, %dma_wait3A] : memref<10128x128xf32, #tpu.memory_space<vmem_shared>> -> memref<624x128xf32, #tpu.memory_space<vmem_shared>>
      %dma_wait3A_82 = arith.constant 0 : i32
      %dma_wait3A_83 = tpu.memref_slice %arg5[%mul3A_48, %dma_wait3A_82] : memref<10000x128xf32, #tpu.memory_space<hbm>> -> memref<624x128xf32, #tpu.memory_space<hbm>>
      tpu.wait_dma2 semaphore(%run_scoped3A : memref<!tpu.dma_semaphore, #tpu.memory_space<semaphore_mem>>) src(%dma_wait3A_83 : memref<624x128xf32, #tpu.memory_space<hbm>>) dst(%dma_wait3A_81 : memref<624x128xf32, #tpu.memory_space<vmem_shared>>)
      tpu.yield
    }) : () -> ()
    %eq3A = arith.constant 0 : i32
    %eq3A_51 = arith.cmpi eq, %arg1, %eq3A : i32
    %convert_element_type3A = arith.extui %eq3A_51 : i1 to i32
    %cond3A = arith.constant 0 : i32
    %cond3A_52 = arith.cmpi ne, %convert_element_type3A, %cond3A : i32
    scf.if %cond3A_52 {
      "tpu.region"() ({
        %run_scoped3A = tpu.sem_alloc : memref<!tpu.dma_semaphore, #tpu.memory_space<semaphore_mem>>
        %dma_start3A = arith.constant 9984 : i32
        %dma_start3A_78 = arith.constant 0 : i32
        %dma_start3A_79 = tpu.memref_slice %arg14[%dma_start3A, %dma_start3A_78] : memref<10128x128xf32, #tpu.memory_space<vmem_shared>> -> memref<16x128xf32, #tpu.memory_space<vmem_shared>>
        %dma_start3A_80 = arith.constant 9984 : i32
        %dma_start3A_81 = arith.constant 0 : i32
        %dma_start3A_82 = tpu.memref_slice %arg5[%dma_start3A_80, %dma_start3A_81] : memref<10000x128xf32, #tpu.memory_space<hbm>> -> memref<16x128xf32, #tpu.memory_space<hbm>>
        tpu.enqueue_dma source(%dma_start3A_82 : memref<16x128xf32, #tpu.memory_space<hbm>>) target(%dma_start3A_79 : memref<16x128xf32, #tpu.memory_space<vmem_shared>>) target_semaphore(%run_scoped3A : memref<!tpu.dma_semaphore, #tpu.memory_space<semaphore_mem>>)
        %dma_wait3A = arith.constant 9984 : i32
        %dma_wait3A_83 = arith.constant 0 : i32
        %dma_wait3A_84 = tpu.memref_slice %arg14[%dma_wait3A, %dma_wait3A_83] : memref<10128x128xf32, #tpu.memory_space<vmem_shared>> -> memref<16x128xf32, #tpu.memory_space<vmem_shared>>
        %dma_wait3A_85 = arith.constant 9984 : i32
        %dma_wait3A_86 = arith.constant 0 : i32
        %dma_wait3A_87 = tpu.memref_slice %arg5[%dma_wait3A_85, %dma_wait3A_86] : memref<10000x128xf32, #tpu.memory_space<hbm>> -> memref<16x128xf32, #tpu.memory_space<hbm>>
        tpu.wait_dma2 semaphore(%run_scoped3A : memref<!tpu.dma_semaphore, #tpu.memory_space<semaphore_mem>>) src(%dma_wait3A_87 : memref<16x128xf32, #tpu.memory_space<hbm>>) dst(%dma_wait3A_84 : memref<16x128xf32, #tpu.memory_space<vmem_shared>>)
        tpu.yield
      }) : () -> ()
    } else {
    }
    %eq3A_53 = arith.constant 0 : i32
    %eq3A_54 = arith.cmpi eq, %arg1, %eq3A_53 : i32
    %convert_element_type3A_55 = arith.extui %eq3A_54 : i1 to i32
    %cond3A_56 = arith.constant 0 : i32
    %cond3A_57 = arith.cmpi ne, %convert_element_type3A_55, %cond3A_56 : i32
    scf.if %cond3A_57 {
      "tpu.region"() ({
        %run_scoped3A = tpu.sem_alloc : memref<!tpu.dma_semaphore, #tpu.memory_space<semaphore_mem>>
        tpu.enqueue_dma source(%arg6 : memref<10128xf32, #tpu.memory_space<hbm>>) target(%arg15 : memref<10128xf32, #tpu.memory_space<vmem_shared>>) target_semaphore(%run_scoped3A : memref<!tpu.dma_semaphore, #tpu.memory_space<semaphore_mem>>)
        tpu.wait_dma2 semaphore(%run_scoped3A : memref<!tpu.dma_semaphore, #tpu.memory_space<semaphore_mem>>) src(%arg6 : memref<10128xf32, #tpu.memory_space<hbm>>) dst(%arg15 : memref<10128xf32, #tpu.memory_space<vmem_shared>>)
        tpu.yield
      }) : () -> ()
    } else {
    }
    %barrier3A = arith.constant 0 : index
    tpu.barrier barrier_id(%barrier3A)
    %scan3A = arith.constant 0 : i32
    %scan3A_58 = arith.constant 0 : i32
    %scan3A_59 = arith.constant 5 : i32
    %scan3A_60 = arith.addi %scan3A_58, %scan3A_59 : i32
    %scan3A_61 = arith.constant 1 : i32
    scf.for %scan3A_78 = %scan3A_58 to %scan3A_60 step %scan3A_61  : i32 {
      %mul3A_79 = arith.constant 5 : i32
      %mul3A_80 = arith.muli %add3A, %mul3A_79 : i32
      %add3A_81 = arith.addi %mul3A_80, %scan3A_78 : i32
      "tpu.region"() ({
        %run_scoped3A_136 = tpu.sem_alloc : memref<!tpu.dma_semaphore, #tpu.memory_space<semaphore_mem>>
        %dma_start3A_137 = arith.constant 0 : i32
        %dma_start3A_138 = arith.constant 0 : i32
        %dma_start3A_139 = tpu.memref_slice %arg3[%add3A_81, %dma_start3A_137, %dma_start3A_138] : memref<160x16x128xi32, #tpu.memory_space<hbm>> -> memref<1x16x128xi32, #tpu.memory_space<hbm>>
        %dma_start3A_140 = tpu.memref_squeeze %dma_start3A_139 : memref<1x16x128xi32, #tpu.memory_space<hbm>> -> memref<16x128xi32, #tpu.memory_space<hbm>>
        %dma_start3A_141 = arith.constant 0 : i32
        %dma_start3A_142 = arith.constant 0 : i32
        %dma_start3A_143 = tpu.memref_slice %arg3[%add3A_81, %dma_start3A_141, %dma_start3A_142] : memref<160x16x128xi32, #tpu.memory_space<hbm>> -> memref<1x16x128xi32, #tpu.memory_space<hbm>>
        %dma_start3A_144 = tpu.memref_squeeze %dma_start3A_143 : memref<1x16x128xi32, #tpu.memory_space<hbm>> -> memref<16x128xi32, #tpu.memory_space<hbm>>
        tpu.enqueue_dma source(%dma_start3A_144 : memref<16x128xi32, #tpu.memory_space<hbm>>) target(%arg9 : memref<16x128xi32, #tpu.memory_space<vmem>>) target_semaphore(%run_scoped3A_136 : memref<!tpu.dma_semaphore, #tpu.memory_space<semaphore_mem>>)
        %dma_wait3A_145 = arith.constant 0 : i32
        %dma_wait3A_146 = arith.constant 0 : i32
        %dma_wait3A_147 = tpu.memref_slice %arg3[%add3A_81, %dma_wait3A_145, %dma_wait3A_146] : memref<160x16x128xi32, #tpu.memory_space<hbm>> -> memref<1x16x128xi32, #tpu.memory_space<hbm>>
        %dma_wait3A_148 = tpu.memref_squeeze %dma_wait3A_147 : memref<1x16x128xi32, #tpu.memory_space<hbm>> -> memref<16x128xi32, #tpu.memory_space<hbm>>
        %dma_wait3A_149 = arith.constant 0 : i32
        %dma_wait3A_150 = arith.constant 0 : i32
        %dma_wait3A_151 = tpu.memref_slice %arg3[%add3A_81, %dma_wait3A_149, %dma_wait3A_150] : memref<160x16x128xi32, #tpu.memory_space<hbm>> -> memref<1x16x128xi32, #tpu.memory_space<hbm>>
        %dma_wait3A_152 = tpu.memref_squeeze %dma_wait3A_151 : memref<1x16x128xi32, #tpu.memory_space<hbm>> -> memref<16x128xi32, #tpu.memory_space<hbm>>
        tpu.wait_dma2 semaphore(%run_scoped3A_136 : memref<!tpu.dma_semaphore, #tpu.memory_space<semaphore_mem>>) src(%dma_wait3A_152 : memref<16x128xi32, #tpu.memory_space<hbm>>) dst(%arg9 : memref<16x128xi32, #tpu.memory_space<vmem>>)
        tpu.yield
      }) : () -> ()
      %mul3A_82 = arith.constant 5 : i32
      %mul3A_83 = arith.muli %add3A, %mul3A_82 : i32
      %add3A_84 = arith.addi %mul3A_83, %scan3A_78 : i32
      "tpu.region"() ({
        %run_scoped3A_136 = tpu.sem_alloc : memref<!tpu.dma_semaphore, #tpu.memory_space<semaphore_mem>>
        %dma_start3A_137 = arith.constant 0 : i32
        %dma_start3A_138 = arith.constant 0 : i32
        %dma_start3A_139 = tpu.memref_slice %arg4[%add3A_84, %dma_start3A_137, %dma_start3A_138] : memref<160x16x128xi32, #tpu.memory_space<hbm>> -> memref<1x16x128xi32, #tpu.memory_space<hbm>>
        %dma_start3A_140 = tpu.memref_squeeze %dma_start3A_139 : memref<1x16x128xi32, #tpu.memory_space<hbm>> -> memref<16x128xi32, #tpu.memory_space<hbm>>
        %dma_start3A_141 = arith.constant 0 : i32
        %dma_start3A_142 = arith.constant 0 : i32
        %dma_start3A_143 = tpu.memref_slice %arg4[%add3A_84, %dma_start3A_141, %dma_start3A_142] : memref<160x16x128xi32, #tpu.memory_space<hbm>> -> memref<1x16x128xi32, #tpu.memory_space<hbm>>
        %dma_start3A_144 = tpu.memref_squeeze %dma_start3A_143 : memref<1x16x128xi32, #tpu.memory_space<hbm>> -> memref<16x128xi32, #tpu.memory_space<hbm>>
        tpu.enqueue_dma source(%dma_start3A_144 : memref<16x128xi32, #tpu.memory_space<hbm>>) target(%arg10 : memref<16x128xi32, #tpu.memory_space<vmem>>) target_semaphore(%run_scoped3A_136 : memref<!tpu.dma_semaphore, #tpu.memory_space<semaphore_mem>>)
        %dma_wait3A_145 = arith.constant 0 : i32
        %dma_wait3A_146 = arith.constant 0 : i32
        %dma_wait3A_147 = tpu.memref_slice %arg4[%add3A_84, %dma_wait3A_145, %dma_wait3A_146] : memref<160x16x128xi32, #tpu.memory_space<hbm>> -> memref<1x16x128xi32, #tpu.memory_space<hbm>>
        %dma_wait3A_148 = tpu.memref_squeeze %dma_wait3A_147 : memref<1x16x128xi32, #tpu.memory_space<hbm>> -> memref<16x128xi32, #tpu.memory_space<hbm>>
        %dma_wait3A_149 = arith.constant 0 : i32
        %dma_wait3A_150 = arith.constant 0 : i32
        %dma_wait3A_151 = tpu.memref_slice %arg4[%add3A_84, %dma_wait3A_149, %dma_wait3A_150] : memref<160x16x128xi32, #tpu.memory_space<hbm>> -> memref<1x16x128xi32, #tpu.memory_space<hbm>>
        %dma_wait3A_152 = tpu.memref_squeeze %dma_wait3A_151 : memref<1x16x128xi32, #tpu.memory_space<hbm>> -> memref<16x128xi32, #tpu.memory_space<hbm>>
        tpu.wait_dma2 semaphore(%run_scoped3A_136 : memref<!tpu.dma_semaphore, #tpu.memory_space<semaphore_mem>>) src(%dma_wait3A_152 : memref<16x128xi32, #tpu.memory_space<hbm>>) dst(%arg10 : memref<16x128xi32, #tpu.memory_space<vmem>>)
        tpu.yield
      }) : () -> ()
      %dma_start3A = arith.constant 0 : i32
      %dma_start3A_85 = arith.constant 0 : i32
      %dma_start3A_86 = tpu.memref_slice %arg9[%dma_start3A, %dma_start3A_85] : memref<16x128xi32, #tpu.memory_space<vmem>> -> memref<1x128xi32, #tpu.memory_space<vmem>>
      %dma_start3A_87 = tpu.memref_squeeze %dma_start3A_86 : memref<1x128xi32, #tpu.memory_space<vmem>> -> memref<128xi32, #tpu.memory_space<vmem>>
      %dma_start3A_88 = arith.constant 0 : i32
      %dma_start3A_89 = arith.constant 0 : i32
      %dma_start3A_90 = tpu.memref_slice %arg2[%dma_start3A_88, %dma_start3A_89] : memref<10000x128xf32, #tpu.memory_space<hbm>> -> memref<10000x128xf32, #tpu.memory_space<hbm>>
      tpu.enqueue_indirect_dma source(%dma_start3A_90 : memref<10000x128xf32, #tpu.memory_space<hbm>>) target(%arg11 : memref<128x128xf32, #tpu.memory_space<vmem>>) offsets(%dma_start3A_87 : memref<128xi32, #tpu.memory_space<vmem>>) semaphore(%arg16 : memref<!tpu.dma_semaphore, #tpu.memory_space<semaphore_mem>>)
      %dma_start3A_91 = arith.constant 1 : i32
      %dma_start3A_92 = arith.constant 0 : i32
      %dma_start3A_93 = tpu.memref_slice %arg9[%dma_start3A_91, %dma_start3A_92] : memref<16x128xi32, #tpu.memory_space<vmem>> -> memref<1x128xi32, #tpu.memory_space<vmem>>
      %dma_start3A_94 = tpu.memref_squeeze %dma_start3A_93 : memref<1x128xi32, #tpu.memory_space<vmem>> -> memref<128xi32, #tpu.memory_space<vmem>>
      %dma_start3A_95 = arith.constant 0 : i32
      %dma_start3A_96 = arith.constant 0 : i32
      %dma_start3A_97 = tpu.memref_slice %arg2[%dma_start3A_95, %dma_start3A_96] : memref<10000x128xf32, #tpu.memory_space<hbm>> -> memref<10000x128xf32, #tpu.memory_space<hbm>>
      tpu.enqueue_indirect_dma source(%dma_start3A_97 : memref<10000x128xf32, #tpu.memory_space<hbm>>) target(%arg12 : memref<128x128xf32, #tpu.memory_space<vmem>>) offsets(%dma_start3A_94 : memref<128xi32, #tpu.memory_space<vmem>>) semaphore(%arg17 : memref<!tpu.dma_semaphore, #tpu.memory_space<semaphore_mem>>)
      %scan3A_98 = arith.constant 0 : i32
      %scan3A_99 = arith.constant 0 : i32
      %scan3A_100 = arith.constant 7 : i32
      %scan3A_101 = arith.addi %scan3A_99, %scan3A_100 : i32
      %scan3A_102 = arith.constant 1 : i32
      scf.for %scan3A_136 = %scan3A_99 to %scan3A_101 step %scan3A_102  : i32 {
        %mul3A_137 = arith.constant 2 : i32
        %mul3A_138 = arith.muli %mul3A_137, %scan3A_136 : i32
        %dma_wait3A_139 = arith.constant 0 : i32
        %dma_wait3A_140 = tpu.memref_slice %arg9[%mul3A_138, %dma_wait3A_139] : memref<16x128xi32, #tpu.memory_space<vmem>> -> memref<1x128xi32, #tpu.memory_space<vmem>>
        %dma_wait3A_141 = tpu.memref_squeeze %dma_wait3A_140 : memref<1x128xi32, #tpu.memory_space<vmem>> -> memref<128xi32, #tpu.memory_space<vmem>>
        %dma_wait3A_142 = arith.constant 0 : i32
        %dma_wait3A_143 = arith.constant 0 : i32
        %dma_wait3A_144 = tpu.memref_slice %arg2[%dma_wait3A_142, %dma_wait3A_143] : memref<10000x128xf32, #tpu.memory_space<hbm>> -> memref<10000x128xf32, #tpu.memory_space<hbm>>
        tpu.wait_indirect_dma semaphore(%arg16 : memref<!tpu.dma_semaphore, #tpu.memory_space<semaphore_mem>>) src(%dma_wait3A_144 : memref<10000x128xf32, #tpu.memory_space<hbm>>) dst(%arg11 : memref<128x128xf32, #tpu.memory_space<vmem>>)
        "tpu.region"() ({
          %run_scoped3A_181 = tpu.sem_alloc : memref<!tpu.dma_semaphore, #tpu.memory_space<semaphore_mem>>
          %dma_start3A_182 = arith.constant 0 : i32
          %dma_start3A_183 = tpu.memref_slice %arg10[%mul3A_138, %dma_start3A_182] : memref<16x128xi32, #tpu.memory_space<vmem>> -> memref<1x128xi32, #tpu.memory_space<vmem>>
          %dma_start3A_184 = tpu.memref_squeeze %dma_start3A_183 : memref<1x128xi32, #tpu.memory_space<vmem>> -> memref<128xi32, #tpu.memory_space<vmem>>
          %dma_start3A_185 = arith.constant 0 : i32
          %dma_start3A_186 = arith.constant 0 : i32
          %dma_start3A_187 = tpu.memref_slice %arg14[%dma_start3A_185, %dma_start3A_186] : memref<10128x128xf32, #tpu.memory_space<vmem_shared>> -> memref<10128x128xf32, #tpu.memory_space<vmem_shared>>
          tpu.enqueue_indirect_dma source(%arg11 : memref<128x128xf32, #tpu.memory_space<vmem>>) target(%dma_start3A_187 : memref<10128x128xf32, #tpu.memory_space<vmem_shared>>) offsets(%dma_start3A_184 : memref<128xi32, #tpu.memory_space<vmem>>) semaphore(%run_scoped3A_181 : memref<!tpu.dma_semaphore, #tpu.memory_space<semaphore_mem>>) {add = true}
          %dma_wait3A_188 = arith.constant 0 : i32
          %dma_wait3A_189 = tpu.memref_slice %arg10[%mul3A_138, %dma_wait3A_188] : memref<16x128xi32, #tpu.memory_space<vmem>> -> memref<1x128xi32, #tpu.memory_space<vmem>>
          %dma_wait3A_190 = tpu.memref_squeeze %dma_wait3A_189 : memref<1x128xi32, #tpu.memory_space<vmem>> -> memref<128xi32, #tpu.memory_space<vmem>>
          %dma_wait3A_191 = arith.constant 0 : i32
          %dma_wait3A_192 = arith.constant 0 : i32
          %dma_wait3A_193 = tpu.memref_slice %arg14[%dma_wait3A_191, %dma_wait3A_192] : memref<10128x128xf32, #tpu.memory_space<vmem_shared>> -> memref<10128x128xf32, #tpu.memory_space<vmem_shared>>
          tpu.wait_indirect_dma semaphore(%run_scoped3A_181 : memref<!tpu.dma_semaphore, #tpu.memory_space<semaphore_mem>>) src(%arg11 : memref<128x128xf32, #tpu.memory_space<vmem>>) dst(%dma_wait3A_193 : memref<10128x128xf32, #tpu.memory_space<vmem_shared>>)
          tpu.yield
        }) : () -> ()
        %dma_start3A_145 = arith.constant 0 : i32
        %dma_start3A_146 = tpu.memref_slice %arg10[%mul3A_138, %dma_start3A_145] : memref<16x128xi32, #tpu.memory_space<vmem>> -> memref<1x128xi32, #tpu.memory_space<vmem>>
        %dma_start3A_147 = tpu.memref_squeeze %dma_start3A_146 : memref<1x128xi32, #tpu.memory_space<vmem>> -> memref<128xi32, #tpu.memory_space<vmem>>
        %dma_start3A_148 = arith.constant 0 : i32
        %dma_start3A_149 = tpu.memref_slice %arg15[%dma_start3A_148] : memref<10128xf32, #tpu.memory_space<vmem_shared>> -> memref<10128xf32, #tpu.memory_space<vmem_shared>>
        tpu.enqueue_indirect_dma source(%arg13 : memref<128xf32, #tpu.memory_space<vmem>>) target(%dma_start3A_149 : memref<10128xf32, #tpu.memory_space<vmem_shared>>) offsets(%dma_start3A_147 : memref<128xi32, #tpu.memory_space<vmem>>) semaphore(%arg18 : memref<!tpu.dma_semaphore, #tpu.memory_space<semaphore_mem>>) {add = true}
        %add3A_150 = arith.constant 2 : i32
        %add3A_151 = arith.addi %mul3A_138, %add3A_150 : i32
        %dma_start3A_152 = arith.constant 0 : i32
        %dma_start3A_153 = tpu.memref_slice %arg9[%add3A_151, %dma_start3A_152] : memref<16x128xi32, #tpu.memory_space<vmem>> -> memref<1x128xi32, #tpu.memory_space<vmem>>
        %dma_start3A_154 = tpu.memref_squeeze %dma_start3A_153 : memref<1x128xi32, #tpu.memory_space<vmem>> -> memref<128xi32, #tpu.memory_space<vmem>>
        %dma_start3A_155 = arith.constant 0 : i32
        %dma_start3A_156 = arith.constant 0 : i32
        %dma_start3A_157 = tpu.memref_slice %arg2[%dma_start3A_155, %dma_start3A_156] : memref<10000x128xf32, #tpu.memory_space<hbm>> -> memref<10000x128xf32, #tpu.memory_space<hbm>>
        tpu.enqueue_indirect_dma source(%dma_start3A_157 : memref<10000x128xf32, #tpu.memory_space<hbm>>) target(%arg11 : memref<128x128xf32, #tpu.memory_space<vmem>>) offsets(%dma_start3A_154 : memref<128xi32, #tpu.memory_space<vmem>>) semaphore(%arg16 : memref<!tpu.dma_semaphore, #tpu.memory_space<semaphore_mem>>)
        %add3A_158 = arith.constant 1 : i32
        %add3A_159 = arith.addi %mul3A_138, %add3A_158 : i32
        %dma_wait3A_160 = arith.constant 0 : i32
        %dma_wait3A_161 = tpu.memref_slice %arg9[%add3A_159, %dma_wait3A_160] : memref<16x128xi32, #tpu.memory_space<vmem>> -> memref<1x128xi32, #tpu.memory_space<vmem>>
        %dma_wait3A_162 = tpu.memref_squeeze %dma_wait3A_161 : memref<1x128xi32, #tpu.memory_space<vmem>> -> memref<128xi32, #tpu.memory_space<vmem>>
        %dma_wait3A_163 = arith.constant 0 : i32
        %dma_wait3A_164 = arith.constant 0 : i32
        %dma_wait3A_165 = tpu.memref_slice %arg2[%dma_wait3A_163, %dma_wait3A_164] : memref<10000x128xf32, #tpu.memory_space<hbm>> -> memref<10000x128xf32, #tpu.memory_space<hbm>>
        tpu.wait_indirect_dma semaphore(%arg17 : memref<!tpu.dma_semaphore, #tpu.memory_space<semaphore_mem>>) src(%dma_wait3A_165 : memref<10000x128xf32, #tpu.memory_space<hbm>>) dst(%arg12 : memref<128x128xf32, #tpu.memory_space<vmem>>)
        %add3A_166 = arith.constant 1 : i32
        %add3A_167 = arith.addi %mul3A_138, %add3A_166 : i32
        "tpu.region"() ({
          %run_scoped3A_181 = tpu.sem_alloc : memref<!tpu.dma_semaphore, #tpu.memory_space<semaphore_mem>>
          %dma_start3A_182 = arith.constant 0 : i32
          %dma_start3A_183 = tpu.memref_slice %arg10[%add3A_167, %dma_start3A_182] : memref<16x128xi32, #tpu.memory_space<vmem>> -> memref<1x128xi32, #tpu.memory_space<vmem>>
          %dma_start3A_184 = tpu.memref_squeeze %dma_start3A_183 : memref<1x128xi32, #tpu.memory_space<vmem>> -> memref<128xi32, #tpu.memory_space<vmem>>
          %dma_start3A_185 = arith.constant 0 : i32
          %dma_start3A_186 = arith.constant 0 : i32
          %dma_start3A_187 = tpu.memref_slice %arg14[%dma_start3A_185, %dma_start3A_186] : memref<10128x128xf32, #tpu.memory_space<vmem_shared>> -> memref<10128x128xf32, #tpu.memory_space<vmem_shared>>
          tpu.enqueue_indirect_dma source(%arg12 : memref<128x128xf32, #tpu.memory_space<vmem>>) target(%dma_start3A_187 : memref<10128x128xf32, #tpu.memory_space<vmem_shared>>) offsets(%dma_start3A_184 : memref<128xi32, #tpu.memory_space<vmem>>) semaphore(%run_scoped3A_181 : memref<!tpu.dma_semaphore, #tpu.memory_space<semaphore_mem>>) {add = true}
          %dma_wait3A_188 = arith.constant 0 : i32
          %dma_wait3A_189 = tpu.memref_slice %arg10[%add3A_167, %dma_wait3A_188] : memref<16x128xi32, #tpu.memory_space<vmem>> -> memref<1x128xi32, #tpu.memory_space<vmem>>
          %dma_wait3A_190 = tpu.memref_squeeze %dma_wait3A_189 : memref<1x128xi32, #tpu.memory_space<vmem>> -> memref<128xi32, #tpu.memory_space<vmem>>
          %dma_wait3A_191 = arith.constant 0 : i32
          %dma_wait3A_192 = arith.constant 0 : i32
          %dma_wait3A_193 = tpu.memref_slice %arg14[%dma_wait3A_191, %dma_wait3A_192] : memref<10128x128xf32, #tpu.memory_space<vmem_shared>> -> memref<10128x128xf32, #tpu.memory_space<vmem_shared>>
          tpu.wait_indirect_dma semaphore(%run_scoped3A_181 : memref<!tpu.dma_semaphore, #tpu.memory_space<semaphore_mem>>) src(%arg12 : memref<128x128xf32, #tpu.memory_space<vmem>>) dst(%dma_wait3A_193 : memref<10128x128xf32, #tpu.memory_space<vmem_shared>>)
          tpu.yield
        }) : () -> ()
        %dma_start3A_168 = arith.constant 0 : i32
        %dma_start3A_169 = tpu.memref_slice %arg10[%add3A_167, %dma_start3A_168] : memref<16x128xi32, #tpu.memory_space<vmem>> -> memref<1x128xi32, #tpu.memory_space<vmem>>
        %dma_start3A_170 = tpu.memref_squeeze %dma_start3A_169 : memref<1x128xi32, #tpu.memory_space<vmem>> -> memref<128xi32, #tpu.memory_space<vmem>>
        %dma_start3A_171 = arith.constant 0 : i32
        %dma_start3A_172 = tpu.memref_slice %arg15[%dma_start3A_171] : memref<10128xf32, #tpu.memory_space<vmem_shared>> -> memref<10128xf32, #tpu.memory_space<vmem_shared>>
        tpu.enqueue_indirect_dma source(%arg13 : memref<128xf32, #tpu.memory_space<vmem>>) target(%dma_start3A_172 : memref<10128xf32, #tpu.memory_space<vmem_shared>>) offsets(%dma_start3A_170 : memref<128xi32, #tpu.memory_space<vmem>>) semaphore(%arg18 : memref<!tpu.dma_semaphore, #tpu.memory_space<semaphore_mem>>) {add = true}
        %add3A_173 = arith.constant 3 : i32
        %add3A_174 = arith.addi %mul3A_138, %add3A_173 : i32
        %dma_start3A_175 = arith.constant 0 : i32
        %dma_start3A_176 = tpu.memref_slice %arg9[%add3A_174, %dma_start3A_175] : memref<16x128xi32, #tpu.memory_space<vmem>> -> memref<1x128xi32, #tpu.memory_space<vmem>>
        %dma_start3A_177 = tpu.memref_squeeze %dma_start3A_176 : memref<1x128xi32, #tpu.memory_space<vmem>> -> memref<128xi32, #tpu.memory_space<vmem>>
        %dma_start3A_178 = arith.constant 0 : i32
        %dma_start3A_179 = arith.constant 0 : i32
        %dma_start3A_180 = tpu.memref_slice %arg2[%dma_start3A_178, %dma_start3A_179] : memref<10000x128xf32, #tpu.memory_space<hbm>> -> memref<10000x128xf32, #tpu.memory_space<hbm>>
        tpu.enqueue_indirect_dma source(%dma_start3A_180 : memref<10000x128xf32, #tpu.memory_space<hbm>>) target(%arg12 : memref<128x128xf32, #tpu.memory_space<vmem>>) offsets(%dma_start3A_177 : memref<128xi32, #tpu.memory_space<vmem>>) semaphore(%arg17 : memref<!tpu.dma_semaphore, #tpu.memory_space<semaphore_mem>>)
      }
      %scan3A_103 = arith.constant 7 : i32
      %dma_wait3A = arith.constant 14 : i32
      %dma_wait3A_104 = arith.constant 0 : i32
      %dma_wait3A_105 = tpu.memref_slice %arg9[%dma_wait3A, %dma_wait3A_104] : memref<16x128xi32, #tpu.memory_space<vmem>> -> memref<1x128xi32, #tpu.memory_space<vmem>>
      %dma_wait3A_106 = tpu.memref_squeeze %dma_wait3A_105 : memref<1x128xi32, #tpu.memory_space<vmem>> -> memref<128xi32, #tpu.memory_space<vmem>>
      %dma_wait3A_107 = arith.constant 0 : i32
      %dma_wait3A_108 = arith.constant 0 : i32
      %dma_wait3A_109 = tpu.memref_slice %arg2[%dma_wait3A_107, %dma_wait3A_108] : memref<10000x128xf32, #tpu.memory_space<hbm>> -> memref<10000x128xf32, #tpu.memory_space<hbm>>
      tpu.wait_indirect_dma semaphore(%arg16 : memref<!tpu.dma_semaphore, #tpu.memory_space<semaphore_mem>>) src(%dma_wait3A_109 : memref<10000x128xf32, #tpu.memory_space<hbm>>) dst(%arg11 : memref<128x128xf32, #tpu.memory_space<vmem>>)
      %run_scoped3A = arith.constant 14 : i32
      "tpu.region"() ({
        %run_scoped3A_136 = tpu.sem_alloc : memref<!tpu.dma_semaphore, #tpu.memory_space<semaphore_mem>>
        %dma_start3A_137 = arith.constant 0 : i32
        %dma_start3A_138 = tpu.memref_slice %arg10[%run_scoped3A, %dma_start3A_137] : memref<16x128xi32, #tpu.memory_space<vmem>> -> memref<1x128xi32, #tpu.memory_space<vmem>>
        %dma_start3A_139 = tpu.memref_squeeze %dma_start3A_138 : memref<1x128xi32, #tpu.memory_space<vmem>> -> memref<128xi32, #tpu.memory_space<vmem>>
        %dma_start3A_140 = arith.constant 0 : i32
        %dma_start3A_141 = arith.constant 0 : i32
        %dma_start3A_142 = tpu.memref_slice %arg14[%dma_start3A_140, %dma_start3A_141] : memref<10128x128xf32, #tpu.memory_space<vmem_shared>> -> memref<10128x128xf32, #tpu.memory_space<vmem_shared>>
        tpu.enqueue_indirect_dma source(%arg11 : memref<128x128xf32, #tpu.memory_space<vmem>>) target(%dma_start3A_142 : memref<10128x128xf32, #tpu.memory_space<vmem_shared>>) offsets(%dma_start3A_139 : memref<128xi32, #tpu.memory_space<vmem>>) semaphore(%run_scoped3A_136 : memref<!tpu.dma_semaphore, #tpu.memory_space<semaphore_mem>>) {add = true}
        %dma_wait3A_143 = arith.constant 0 : i32
        %dma_wait3A_144 = tpu.memref_slice %arg10[%run_scoped3A, %dma_wait3A_143] : memref<16x128xi32, #tpu.memory_space<vmem>> -> memref<1x128xi32, #tpu.memory_space<vmem>>
        %dma_wait3A_145 = tpu.memref_squeeze %dma_wait3A_144 : memref<1x128xi32, #tpu.memory_space<vmem>> -> memref<128xi32, #tpu.memory_space<vmem>>
        %dma_wait3A_146 = arith.constant 0 : i32
        %dma_wait3A_147 = arith.constant 0 : i32
        %dma_wait3A_148 = tpu.memref_slice %arg14[%dma_wait3A_146, %dma_wait3A_147] : memref<10128x128xf32, #tpu.memory_space<vmem_shared>> -> memref<10128x128xf32, #tpu.memory_space<vmem_shared>>
        tpu.wait_indirect_dma semaphore(%run_scoped3A_136 : memref<!tpu.dma_semaphore, #tpu.memory_space<semaphore_mem>>) src(%arg11 : memref<128x128xf32, #tpu.memory_space<vmem>>) dst(%dma_wait3A_148 : memref<10128x128xf32, #tpu.memory_space<vmem_shared>>)
        tpu.yield
      }) : () -> ()
      %dma_start3A_110 = arith.constant 14 : i32
      %dma_start3A_111 = arith.constant 0 : i32
      %dma_start3A_112 = tpu.memref_slice %arg10[%dma_start3A_110, %dma_start3A_111] : memref<16x128xi32, #tpu.memory_space<vmem>> -> memref<1x128xi32, #tpu.memory_space<vmem>>
      %dma_start3A_113 = tpu.memref_squeeze %dma_start3A_112 : memref<1x128xi32, #tpu.memory_space<vmem>> -> memref<128xi32, #tpu.memory_space<vmem>>
      %dma_start3A_114 = arith.constant 0 : i32
      %dma_start3A_115 = tpu.memref_slice %arg15[%dma_start3A_114] : memref<10128xf32, #tpu.memory_space<vmem_shared>> -> memref<10128xf32, #tpu.memory_space<vmem_shared>>
      tpu.enqueue_indirect_dma source(%arg13 : memref<128xf32, #tpu.memory_space<vmem>>) target(%dma_start3A_115 : memref<10128xf32, #tpu.memory_space<vmem_shared>>) offsets(%dma_start3A_113 : memref<128xi32, #tpu.memory_space<vmem>>) semaphore(%arg18 : memref<!tpu.dma_semaphore, #tpu.memory_space<semaphore_mem>>) {add = true}
      %dma_wait3A_116 = arith.constant 15 : i32
      %dma_wait3A_117 = arith.constant 0 : i32
      %dma_wait3A_118 = tpu.memref_slice %arg9[%dma_wait3A_116, %dma_wait3A_117] : memref<16x128xi32, #tpu.memory_space<vmem>> -> memref<1x128xi32, #tpu.memory_space<vmem>>
      %dma_wait3A_119 = tpu.memref_squeeze %dma_wait3A_118 : memref<1x128xi32, #tpu.memory_space<vmem>> -> memref<128xi32, #tpu.memory_space<vmem>>
      %dma_wait3A_120 = arith.constant 0 : i32
      %dma_wait3A_121 = arith.constant 0 : i32
      %dma_wait3A_122 = tpu.memref_slice %arg2[%dma_wait3A_120, %dma_wait3A_121] : memref<10000x128xf32, #tpu.memory_space<hbm>> -> memref<10000x128xf32, #tpu.memory_space<hbm>>
      tpu.wait_indirect_dma semaphore(%arg17 : memref<!tpu.dma_semaphore, #tpu.memory_space<semaphore_mem>>) src(%dma_wait3A_122 : memref<10000x128xf32, #tpu.memory_space<hbm>>) dst(%arg12 : memref<128x128xf32, #tpu.memory_space<vmem>>)
      %run_scoped3A_123 = arith.constant 15 : i32
      "tpu.region"() ({
        %run_scoped3A_136 = tpu.sem_alloc : memref<!tpu.dma_semaphore, #tpu.memory_space<semaphore_mem>>
        %dma_start3A_137 = arith.constant 0 : i32
        %dma_start3A_138 = tpu.memref_slice %arg10[%run_scoped3A_123, %dma_start3A_137] : memref<16x128xi32, #tpu.memory_space<vmem>> -> memref<1x128xi32, #tpu.memory_space<vmem>>
        %dma_start3A_139 = tpu.memref_squeeze %dma_start3A_138 : memref<1x128xi32, #tpu.memory_space<vmem>> -> memref<128xi32, #tpu.memory_space<vmem>>
        %dma_start3A_140 = arith.constant 0 : i32
        %dma_start3A_141 = arith.constant 0 : i32
        %dma_start3A_142 = tpu.memref_slice %arg14[%dma_start3A_140, %dma_start3A_141] : memref<10128x128xf32, #tpu.memory_space<vmem_shared>> -> memref<10128x128xf32, #tpu.memory_space<vmem_shared>>
        tpu.enqueue_indirect_dma source(%arg12 : memref<128x128xf32, #tpu.memory_space<vmem>>) target(%dma_start3A_142 : memref<10128x128xf32, #tpu.memory_space<vmem_shared>>) offsets(%dma_start3A_139 : memref<128xi32, #tpu.memory_space<vmem>>) semaphore(%run_scoped3A_136 : memref<!tpu.dma_semaphore, #tpu.memory_space<semaphore_mem>>) {add = true}
        %dma_wait3A_143 = arith.constant 0 : i32
        %dma_wait3A_144 = tpu.memref_slice %arg10[%run_scoped3A_123, %dma_wait3A_143] : memref<16x128xi32, #tpu.memory_space<vmem>> -> memref<1x128xi32, #tpu.memory_space<vmem>>
        %dma_wait3A_145 = tpu.memref_squeeze %dma_wait3A_144 : memref<1x128xi32, #tpu.memory_space<vmem>> -> memref<128xi32, #tpu.memory_space<vmem>>
        %dma_wait3A_146 = arith.constant 0 : i32
        %dma_wait3A_147 = arith.constant 0 : i32
        %dma_wait3A_148 = tpu.memref_slice %arg14[%dma_wait3A_146, %dma_wait3A_147] : memref<10128x128xf32, #tpu.memory_space<vmem_shared>> -> memref<10128x128xf32, #tpu.memory_space<vmem_shared>>
        tpu.wait_indirect_dma semaphore(%run_scoped3A_136 : memref<!tpu.dma_semaphore, #tpu.memory_space<semaphore_mem>>) src(%arg12 : memref<128x128xf32, #tpu.memory_space<vmem>>) dst(%dma_wait3A_148 : memref<10128x128xf32, #tpu.memory_space<vmem_shared>>)
        tpu.yield
      }) : () -> ()
      %dma_start3A_124 = arith.constant 15 : i32
      %dma_start3A_125 = arith.constant 0 : i32
      %dma_start3A_126 = tpu.memref_slice %arg10[%dma_start3A_124, %dma_start3A_125] : memref<16x128xi32, #tpu.memory_space<vmem>> -> memref<1x128xi32, #tpu.memory_space<vmem>>
      %dma_start3A_127 = tpu.memref_squeeze %dma_start3A_126 : memref<1x128xi32, #tpu.memory_space<vmem>> -> memref<128xi32, #tpu.memory_space<vmem>>
      %dma_start3A_128 = arith.constant 0 : i32
      %dma_start3A_129 = tpu.memref_slice %arg15[%dma_start3A_128] : memref<10128xf32, #tpu.memory_space<vmem_shared>> -> memref<10128xf32, #tpu.memory_space<vmem_shared>>
      tpu.enqueue_indirect_dma source(%arg13 : memref<128xf32, #tpu.memory_space<vmem>>) target(%dma_start3A_129 : memref<10128xf32, #tpu.memory_space<vmem_shared>>) offsets(%dma_start3A_127 : memref<128xi32, #tpu.memory_space<vmem>>) semaphore(%arg18 : memref<!tpu.dma_semaphore, #tpu.memory_space<semaphore_mem>>) {add = true}
      %scan3A_130 = arith.constant 0 : i32
      %scan3A_131 = arith.constant 0 : i32
      %scan3A_132 = arith.constant 16 : i32
      %scan3A_133 = arith.addi %scan3A_131, %scan3A_132 : i32
      %scan3A_134 = arith.constant 1 : i32
      scf.for %scan3A_136 = %scan3A_131 to %scan3A_133 step %scan3A_134  : i32 {
        %dma_wait3A_137 = arith.constant 0 : i32
        %dma_wait3A_138 = tpu.memref_slice %arg10[%scan3A_136, %dma_wait3A_137] : memref<16x128xi32, #tpu.memory_space<vmem>> -> memref<1x128xi32, #tpu.memory_space<vmem>>
        %dma_wait3A_139 = tpu.memref_squeeze %dma_wait3A_138 : memref<1x128xi32, #tpu.memory_space<vmem>> -> memref<128xi32, #tpu.memory_space<vmem>>
        %dma_wait3A_140 = arith.constant 0 : i32
        %dma_wait3A_141 = tpu.memref_slice %arg15[%dma_wait3A_140] : memref<10128xf32, #tpu.memory_space<vmem_shared>> -> memref<10128xf32, #tpu.memory_space<vmem_shared>>
        tpu.wait_indirect_dma semaphore(%arg18 : memref<!tpu.dma_semaphore, #tpu.memory_space<semaphore_mem>>) src(%arg13 : memref<128xf32, #tpu.memory_space<vmem>>) dst(%dma_wait3A_141 : memref<10128xf32, #tpu.memory_space<vmem_shared>>)
      }
      %scan3A_135 = arith.constant 16 : i32
    }
    %scan3A_62 = arith.constant 5 : i32
    %barrier3A_63 = arith.constant 0 : index
    tpu.barrier barrier_id(%barrier3A_63)
    %mul3A_64 = arith.constant 624 : i32
    %mul3A_65 = arith.muli %arg1, %mul3A_64 : i32
    %mul3A_66 = arith.constant 624 : i32
    %mul3A_67 = arith.muli %arg1, %mul3A_66 : i32
    "tpu.region"() ({
      %run_scoped3A = tpu.sem_alloc : memref<!tpu.dma_semaphore, #tpu.memory_space<semaphore_mem>>
      %dma_start3A = arith.constant 0 : i32
      %dma_start3A_78 = tpu.memref_slice %arg7[%arg0, %mul3A_67, %dma_start3A] : memref<2x10000x128xf32, #tpu.memory_space<hbm>> -> memref<1x624x128xf32, #tpu.memory_space<hbm>>
      %dma_start3A_79 = tpu.memref_squeeze %dma_start3A_78 : memref<1x624x128xf32, #tpu.memory_space<hbm>> -> memref<624x128xf32, #tpu.memory_space<hbm>>
      %dma_start3A_80 = arith.constant 0 : i32
      %dma_start3A_81 = tpu.memref_slice %arg14[%mul3A_65, %dma_start3A_80] : memref<10128x128xf32, #tpu.memory_space<vmem_shared>> -> memref<624x128xf32, #tpu.memory_space<vmem_shared>>
      tpu.enqueue_dma source(%dma_start3A_81 : memref<624x128xf32, #tpu.memory_space<vmem_shared>>) target(%dma_start3A_79 : memref<624x128xf32, #tpu.memory_space<hbm>>) target_semaphore(%run_scoped3A : memref<!tpu.dma_semaphore, #tpu.memory_space<semaphore_mem>>)
      %dma_wait3A = arith.constant 0 : i32
      %dma_wait3A_82 = tpu.memref_slice %arg7[%arg0, %mul3A_67, %dma_wait3A] : memref<2x10000x128xf32, #tpu.memory_space<hbm>> -> memref<1x624x128xf32, #tpu.memory_space<hbm>>
      %dma_wait3A_83 = tpu.memref_squeeze %dma_wait3A_82 : memref<1x624x128xf32, #tpu.memory_space<hbm>> -> memref<624x128xf32, #tpu.memory_space<hbm>>
      %dma_wait3A_84 = arith.constant 0 : i32
      %dma_wait3A_85 = tpu.memref_slice %arg14[%mul3A_65, %dma_wait3A_84] : memref<10128x128xf32, #tpu.memory_space<vmem_shared>> -> memref<624x128xf32, #tpu.memory_space<vmem_shared>>
      tpu.wait_dma2 semaphore(%run_scoped3A : memref<!tpu.dma_semaphore, #tpu.memory_space<semaphore_mem>>) src(%dma_wait3A_85 : memref<624x128xf32, #tpu.memory_space<vmem_shared>>) dst(%dma_wait3A_83 : memref<624x128xf32, #tpu.memory_space<hbm>>)
      tpu.yield
    }) : () -> ()
    %eq3A_68 = arith.constant 0 : i32
    %eq3A_69 = arith.cmpi eq, %arg1, %eq3A_68 : i32
    %convert_element_type3A_70 = arith.extui %eq3A_69 : i1 to i32
    %cond3A_71 = arith.constant 0 : i32
    %cond3A_72 = arith.cmpi ne, %convert_element_type3A_70, %cond3A_71 : i32
    scf.if %cond3A_72 {
      "tpu.region"() ({
        %run_scoped3A = tpu.sem_alloc : memref<!tpu.dma_semaphore, #tpu.memory_space<semaphore_mem>>
        %dma_start3A = arith.constant 9984 : i32
        %dma_start3A_78 = arith.constant 0 : i32
        %dma_start3A_79 = tpu.memref_slice %arg7[%arg0, %dma_start3A, %dma_start3A_78] : memref<2x10000x128xf32, #tpu.memory_space<hbm>> -> memref<1x16x128xf32, #tpu.memory_space<hbm>>
        %dma_start3A_80 = tpu.memref_squeeze %dma_start3A_79 : memref<1x16x128xf32, #tpu.memory_space<hbm>> -> memref<16x128xf32, #tpu.memory_space<hbm>>
        %dma_start3A_81 = arith.constant 9984 : i32
        %dma_start3A_82 = arith.constant 0 : i32
        %dma_start3A_83 = tpu.memref_slice %arg14[%dma_start3A_81, %dma_start3A_82] : memref<10128x128xf32, #tpu.memory_space<vmem_shared>> -> memref<16x128xf32, #tpu.memory_space<vmem_shared>>
        tpu.enqueue_dma source(%dma_start3A_83 : memref<16x128xf32, #tpu.memory_space<vmem_shared>>) target(%dma_start3A_80 : memref<16x128xf32, #tpu.memory_space<hbm>>) target_semaphore(%run_scoped3A : memref<!tpu.dma_semaphore, #tpu.memory_space<semaphore_mem>>)
        %dma_wait3A = arith.constant 9984 : i32
        %dma_wait3A_84 = arith.constant 0 : i32
        %dma_wait3A_85 = tpu.memref_slice %arg7[%arg0, %dma_wait3A, %dma_wait3A_84] : memref<2x10000x128xf32, #tpu.memory_space<hbm>> -> memref<1x16x128xf32, #tpu.memory_space<hbm>>
        %dma_wait3A_86 = tpu.memref_squeeze %dma_wait3A_85 : memref<1x16x128xf32, #tpu.memory_space<hbm>> -> memref<16x128xf32, #tpu.memory_space<hbm>>
        %dma_wait3A_87 = arith.constant 9984 : i32
        %dma_wait3A_88 = arith.constant 0 : i32
        %dma_wait3A_89 = tpu.memref_slice %arg14[%dma_wait3A_87, %dma_wait3A_88] : memref<10128x128xf32, #tpu.memory_space<vmem_shared>> -> memref<16x128xf32, #tpu.memory_space<vmem_shared>>
        tpu.wait_dma2 semaphore(%run_scoped3A : memref<!tpu.dma_semaphore, #tpu.memory_space<semaphore_mem>>) src(%dma_wait3A_89 : memref<16x128xf32, #tpu.memory_space<vmem_shared>>) dst(%dma_wait3A_86 : memref<16x128xf32, #tpu.memory_space<hbm>>)
        tpu.yield
      }) : () -> ()
    } else {
    }
    %eq3A_73 = arith.constant 0 : i32
    %eq3A_74 = arith.cmpi eq, %arg1, %eq3A_73 : i32
    %convert_element_type3A_75 = arith.extui %eq3A_74 : i1 to i32
    %cond3A_76 = arith.constant 0 : i32
    %cond3A_77 = arith.cmpi ne, %convert_element_type3A_75, %cond3A_76 : i32
    scf.if %cond3A_77 {
      "tpu.region"() ({
        %run_scoped3A = tpu.sem_alloc : memref<!tpu.dma_semaphore, #tpu.memory_space<semaphore_mem>>
        %dma_start3A = arith.constant 0 : i32
        %dma_start3A_78 = tpu.memref_slice %arg8[%arg0, %dma_start3A] : memref<2x10128xf32, #tpu.memory_space<hbm>> -> memref<1x10128xf32, #tpu.memory_space<hbm>>
        %dma_start3A_79 = tpu.memref_squeeze %dma_start3A_78 : memref<1x10128xf32, #tpu.memory_space<hbm>> -> memref<10128xf32, #tpu.memory_space<hbm>>
        tpu.enqueue_dma source(%arg15 : memref<10128xf32, #tpu.memory_space<vmem_shared>>) target(%dma_start3A_79 : memref<10128xf32, #tpu.memory_space<hbm>>) target_semaphore(%run_scoped3A : memref<!tpu.dma_semaphore, #tpu.memory_space<semaphore_mem>>)
        %dma_wait3A = arith.constant 0 : i32
        %dma_wait3A_80 = tpu.memref_slice %arg8[%arg0, %dma_wait3A] : memref<2x10128xf32, #tpu.memory_space<hbm>> -> memref<1x10128xf32, #tpu.memory_space<hbm>>
        %dma_wait3A_81 = tpu.memref_squeeze %dma_wait3A_80 : memref<1x10128xf32, #tpu.memory_space<hbm>> -> memref<10128xf32, #tpu.memory_space<hbm>>
        tpu.wait_dma2 semaphore(%run_scoped3A : memref<!tpu.dma_semaphore, #tpu.memory_space<semaphore_mem>>) src(%arg15 : memref<10128xf32, #tpu.memory_space<vmem_shared>>) dst(%dma_wait3A_81 : memref<10128xf32, #tpu.memory_space<hbm>>)
        tpu.yield
      }) : () -> ()
    } else {
    }
    return
  }
}

module attributes {stable_mosaic.version = 14 : i64} {
  func.func @_tc1_body(%arg0: i32, %arg1: memref<400x128xf32, #tpu.memory_space<vmem>>, %arg2: memref<2x400x128xf32, #tpu.memory_space<vmem>>, %arg3: memref<400x2xf32, #tpu.memory_space<vmem>>, %arg4: memref<128x256xf32, #tpu.memory_space<vmem>>, %arg5: memref<128x256xf32, #tpu.memory_space<vmem>>, %arg6: memref<1x256xf32, #tpu.memory_space<vmem>>, %arg7: memref<400x256xf32, #tpu.memory_space<vmem>>) attributes {dimension_semantics = [#tpu.dimension_semantics<arbitrary>], iteration_bounds = array<i64: 25>, scalar_prefetch = 0 : i64, scratch_operands = 0 : i64, tpu.core_type = #tpu.core_type<tc>, window_params = [{transform_indices = @transform_0, window_bounds = array<i64: 400, 128>}, {transform_indices = @transform_1, window_bounds = array<i64: 2, 400, 128>}, {transform_indices = @transform_2, window_bounds = array<i64: 400, 2>}, {pipeline_mode = #tpu.pipeline_mode<synchronous>, transform_indices = @transform_3, window_bounds = array<i64: 128, 256>}, {pipeline_mode = #tpu.pipeline_mode<synchronous>, transform_indices = @transform_4, window_bounds = array<i64: 128, 256>}, {pipeline_mode = #tpu.pipeline_mode<synchronous>, transform_indices = @transform_5, window_bounds = array<i64: 1, 256>}, {transform_indices = @transform_6, window_bounds = array<i64: 400, 256>}]} {
    %get3A = arith.constant 0 : index
    %get3A_0 = arith.constant 0 : index
    %get3A_1 = arith.constant 0 : index
    %get3A_2 = vector.load %arg2[%get3A, %get3A_0, %get3A_1] : memref<2x400x128xf32, #tpu.memory_space<vmem>>, vector<1x400x128xf32>
    %get3A_3 = vector.shape_cast %get3A_2 : vector<1x400x128xf32> to vector<400x128xf32>
    %get3A_4 = arith.constant 1 : index
    %get3A_5 = arith.constant 0 : index
    %get3A_6 = arith.constant 0 : index
    %get3A_7 = vector.load %arg2[%get3A_4, %get3A_5, %get3A_6] : memref<2x400x128xf32, #tpu.memory_space<vmem>>, vector<1x400x128xf32>
    %get3A_8 = vector.shape_cast %get3A_7 : vector<1x400x128xf32> to vector<400x128xf32>
    %add3A = arith.addf %get3A_3, %get3A_8 : vector<400x128xf32>
    %get3A_9 = arith.constant 0 : index
    %get3A_10 = arith.constant 0 : index
    %get3A_11 = vector.load %arg3[%get3A_9, %get3A_10] : memref<400x2xf32, #tpu.memory_space<vmem>>, vector<400x1xf32>
    %get3A_12 = vector.shape_cast %get3A_11 : vector<400x1xf32> to vector<400xf32>
    %get3A_13 = arith.constant 0 : index
    %get3A_14 = arith.constant 1 : index
    %get3A_15 = vector.load %arg3[%get3A_13, %get3A_14] : memref<400x2xf32, #tpu.memory_space<vmem>>, vector<400x1xf32>
    %get3A_16 = vector.shape_cast %get3A_15 : vector<400x1xf32> to vector<400xf32>
    %add3A_17 = arith.addf %get3A_12, %get3A_16 : vector<400xf32>
    %max3A = arith.constant 1.000000e+00 : f32
    %max3A_18 = vector.broadcast %max3A : f32 to vector<400xf32>
    %max3A_19 = arith.maximumf %add3A_17, %max3A_18 : vector<400xf32>
    %div3A = arith.constant 1.000000e+00 : f32
    %div3A_20 = vector.broadcast %div3A : f32 to vector<400xf32>
    %div3A_21 = arith.divf %div3A_20, %max3A_19 : vector<400xf32>
    %broadcast_in_dim3A = vector.shape_cast %div3A_21 : vector<400xf32> to vector<400x1xf32>
    %mul3A = vector.broadcast %broadcast_in_dim3A : vector<400x1xf32> to vector<400x128xf32>
    %mul3A_22 = arith.mulf %add3A, %mul3A : vector<400x128xf32>
    %get3A_23 = arith.constant 0 : index
    %get3A_24 = arith.constant 0 : index
    %get3A_25 = vector.load %arg4[%get3A_23, %get3A_24] : memref<128x256xf32, #tpu.memory_space<vmem>>, vector<128x256xf32>
    %dot_general3A = arith.constant dense<0.000000e+00> : vector<400x256xf32>
    %dot_general3A_26 = tpu.matmul %mul3A_22, %get3A_25, %dot_general3A {dimension_numbers = #tpu.dot_dimension_numbers<[1], [0], [0], [1], [0, 0, 1, 1], [], []>, transpose_lhs_hint = false} : vector<400x128xf32>, vector<128x256xf32>, vector<400x256xf32> -> vector<400x256xf32>
    %get3A_27 = arith.constant 0 : index
    %get3A_28 = arith.constant 0 : index
    %get3A_29 = vector.load %arg1[%get3A_27, %get3A_28] : memref<400x128xf32, #tpu.memory_space<vmem>>, vector<400x128xf32>
    %get3A_30 = arith.constant 0 : index
    %get3A_31 = arith.constant 0 : index
    %get3A_32 = vector.load %arg5[%get3A_30, %get3A_31] : memref<128x256xf32, #tpu.memory_space<vmem>>, vector<128x256xf32>
    %dot_general3A_33 = arith.constant dense<0.000000e+00> : vector<400x256xf32>
    %dot_general3A_34 = tpu.matmul %get3A_29, %get3A_32, %dot_general3A_33 {dimension_numbers = #tpu.dot_dimension_numbers<[1], [0], [0], [1], [0, 0, 1, 1], [], []>, transpose_lhs_hint = false} : vector<400x128xf32>, vector<128x256xf32>, vector<400x256xf32> -> vector<400x256xf32>
    %add3A_35 = arith.addf %dot_general3A_26, %dot_general3A_34 : vector<400x256xf32>
    %get3A_36 = arith.constant 0 : index
    %get3A_37 = arith.constant 0 : index
    %get3A_38 = vector.load %arg6[%get3A_36, %get3A_37] : memref<1x256xf32, #tpu.memory_space<vmem>>, vector<1x256xf32>
    %add3A_39 = vector.broadcast %get3A_38 : vector<1x256xf32> to vector<400x256xf32>
    %add3A_40 = arith.addf %add3A_35, %add3A_39 : vector<400x256xf32>
    %max3A_41 = arith.constant 0.000000e+00 : f32
    %max3A_42 = vector.broadcast %max3A_41 : f32 to vector<400x256xf32>
    %max3A_43 = arith.maximumf %add3A_40, %max3A_42 : vector<400x256xf32>
    %swap3A = arith.constant 0 : index
    %swap3A_44 = arith.constant 0 : index
    %swap3A_45 = vector.load %arg7[%swap3A, %swap3A_44] : memref<400x256xf32, #tpu.memory_space<vmem>>, vector<400x256xf32>
    tpu.vector_store %arg7[%swap3A, %swap3A_44], %max3A_43 {strides = array<i32>} : memref<400x256xf32, #tpu.memory_space<vmem>>, vector<400x256xf32>,
    return
  }
  func.func @transform_0(%arg0: i32) -> (i32, i32) {
    %c0_i32 = arith.constant 0 : i32
    %c0_i32_0 = arith.constant 0 : i32
    return %arg0, %c0_i32 : i32, i32
  }
  func.func @transform_1(%arg0: i32) -> (i32, i32, i32) {
    %c0_i32 = arith.constant 0 : i32
    %c0_i32_0 = arith.constant 0 : i32
    %c0_i32_1 = arith.constant 0 : i32
    return %c0_i32, %arg0, %c0_i32_0 : i32, i32, i32
  }
  func.func @transform_2(%arg0: i32) -> (i32, i32) {
    %c0_i32 = arith.constant 0 : i32
    %c0_i32_0 = arith.constant 0 : i32
    return %arg0, %c0_i32 : i32, i32
  }
  func.func @transform_3(%arg0: i32) -> (i32, i32) {
    %c0_i32 = arith.constant 0 : i32
    %c0_i32_0 = arith.constant 0 : i32
    %c0_i32_1 = arith.constant 0 : i32
    return %c0_i32, %c0_i32_0 : i32, i32
  }
  func.func @transform_4(%arg0: i32) -> (i32, i32) {
    %c0_i32 = arith.constant 0 : i32
    %c0_i32_0 = arith.constant 0 : i32
    %c0_i32_1 = arith.constant 0 : i32
    return %c0_i32, %c0_i32_0 : i32, i32
  }
  func.func @transform_5(%arg0: i32) -> (i32, i32) {
    %c0_i32 = arith.constant 0 : i32
    %c0_i32_0 = arith.constant 0 : i32
    %c0_i32_1 = arith.constant 0 : i32
    return %c0_i32, %c0_i32_0 : i32, i32
  }
  func.func @transform_6(%arg0: i32) -> (i32, i32) {
    %c0_i32 = arith.constant 0 : i32
    %c0_i32_0 = arith.constant 0 : i32
    return %arg0, %c0_i32 : i32, i32
  }
}

module attributes {stable_mosaic.version = 14 : i64} {
  func.func @_tc2_body(%arg0: i32, %arg1: memref<400x256xf32, #tpu.memory_space<vmem>>, %arg2: memref<2x400x128xf32, #tpu.memory_space<vmem>>, %arg3: memref<400x2xf32, #tpu.memory_space<vmem>>, %arg4: memref<256x256xf32, #tpu.memory_space<vmem>>, %arg5: memref<256x256xf32, #tpu.memory_space<vmem>>, %arg6: memref<1x256xf32, #tpu.memory_space<vmem>>, %arg7: memref<256x1xf32, #tpu.memory_space<vmem>>, %arg8: memref<1x1xf32, #tpu.memory_space<vmem>>, %arg9: memref<400x256xf32, #tpu.memory_space<vmem>>, %arg10: memref<400x1xf32, #tpu.memory_space<vmem>>) attributes {dimension_semantics = [#tpu.dimension_semantics<arbitrary>], iteration_bounds = array<i64: 25>, scalar_prefetch = 0 : i64, scratch_operands = 0 : i64, tpu.core_type = #tpu.core_type<tc>, window_params = [{transform_indices = @transform_0, window_bounds = array<i64: 400, 256>}, {transform_indices = @transform_1, window_bounds = array<i64: 2, 400, 128>}, {transform_indices = @transform_2, window_bounds = array<i64: 400, 2>}, {pipeline_mode = #tpu.pipeline_mode<synchronous>, transform_indices = @transform_3, window_bounds = array<i64: 256, 256>}, {pipeline_mode = #tpu.pipeline_mode<synchronous>, transform_indices = @transform_4, window_bounds = array<i64: 256, 256>}, {pipeline_mode = #tpu.pipeline_mode<synchronous>, transform_indices = @transform_5, window_bounds = array<i64: 1, 256>}, {pipeline_mode = #tpu.pipeline_mode<synchronous>, transform_indices = @transform_6, window_bounds = array<i64: 256, 1>}, {pipeline_mode = #tpu.pipeline_mode<synchronous>, transform_indices = @transform_7, window_bounds = array<i64: 1, 1>}, {transform_indices = @transform_8, window_bounds = array<i64: 400, 256>}, {transform_indices = @transform_9, window_bounds = array<i64: 400, 1>}]} {
    %get3A = arith.constant 0 : index
    %get3A_0 = arith.constant 0 : index
    %get3A_1 = vector.load %arg3[%get3A, %get3A_0] : memref<400x2xf32, #tpu.memory_space<vmem>>, vector<400x1xf32>
    %get3A_2 = vector.shape_cast %get3A_1 : vector<400x1xf32> to vector<400xf32>
    %get3A_3 = arith.constant 0 : index
    %get3A_4 = arith.constant 1 : index
    %get3A_5 = vector.load %arg3[%get3A_3, %get3A_4] : memref<400x2xf32, #tpu.memory_space<vmem>>, vector<400x1xf32>
    %get3A_6 = vector.shape_cast %get3A_5 : vector<400x1xf32> to vector<400xf32>
    %add3A = arith.addf %get3A_2, %get3A_6 : vector<400xf32>
    %max3A = arith.constant 1.000000e+00 : f32
    %max3A_7 = vector.broadcast %max3A : f32 to vector<400xf32>
    %max3A_8 = arith.maximumf %add3A, %max3A_7 : vector<400xf32>
    %div3A = arith.constant 1.000000e+00 : f32
    %div3A_9 = vector.broadcast %div3A : f32 to vector<400xf32>
    %div3A_10 = arith.divf %div3A_9, %max3A_8 : vector<400xf32>
    %get3A_11 = arith.constant 0 : index
    %get3A_12 = arith.constant 0 : index
    %get3A_13 = arith.constant 0 : index
    %get3A_14 = vector.load %arg2[%get3A_11, %get3A_12, %get3A_13] : memref<2x400x128xf32, #tpu.memory_space<vmem>>, vector<1x400x128xf32>
    %get3A_15 = vector.shape_cast %get3A_14 : vector<1x400x128xf32> to vector<400x128xf32>
    %broadcast_in_dim3A = vector.shape_cast %div3A_10 : vector<400xf32> to vector<400x1xf32>
    %mul3A = vector.broadcast %broadcast_in_dim3A : vector<400x1xf32> to vector<400x128xf32>
    %mul3A_16 = arith.mulf %get3A_15, %mul3A : vector<400x128xf32>
    %get3A_17 = arith.constant 1 : index
    %get3A_18 = arith.constant 0 : index
    %get3A_19 = arith.constant 0 : index
    %get3A_20 = vector.load %arg2[%get3A_17, %get3A_18, %get3A_19] : memref<2x400x128xf32, #tpu.memory_space<vmem>>, vector<1x400x128xf32>
    %get3A_21 = vector.shape_cast %get3A_20 : vector<1x400x128xf32> to vector<400x128xf32>
    %broadcast_in_dim3A_22 = vector.shape_cast %div3A_10 : vector<400xf32> to vector<400x1xf32>
    %mul3A_23 = vector.broadcast %broadcast_in_dim3A_22 : vector<400x1xf32> to vector<400x128xf32>
    %mul3A_24 = arith.mulf %get3A_21, %mul3A_23 : vector<400x128xf32>
    %get3A_25 = arith.constant 0 : index
    %get3A_26 = arith.constant 0 : index
    %get3A_27 = vector.load %arg4[%get3A_25, %get3A_26] : memref<256x256xf32, #tpu.memory_space<vmem>>, vector<256x256xf32>
    %slice3A = vector.extract_strided_slice %get3A_27 {offsets = [0, 0], sizes = [128, 256], strides = [1, 1]} : vector<256x256xf32> to vector<128x256xf32>
    %dot_general3A = arith.constant dense<0.000000e+00> : vector<400x256xf32>
    %dot_general3A_28 = tpu.matmul %mul3A_16, %slice3A, %dot_general3A {dimension_numbers = #tpu.dot_dimension_numbers<[1], [0], [0], [1], [0, 0, 1, 1], [], []>, transpose_lhs_hint = false} : vector<400x128xf32>, vector<128x256xf32>, vector<400x256xf32> -> vector<400x256xf32>
    %slice3A_29 = vector.extract_strided_slice %get3A_27 {offsets = [128, 0], sizes = [128, 256], strides = [1, 1]} : vector<256x256xf32> to vector<128x256xf32>
    %dot_general3A_30 = arith.constant dense<0.000000e+00> : vector<400x256xf32>
    %dot_general3A_31 = tpu.matmul %mul3A_24, %slice3A_29, %dot_general3A_30 {dimension_numbers = #tpu.dot_dimension_numbers<[1], [0], [0], [1], [0, 0, 1, 1], [], []>, transpose_lhs_hint = false} : vector<400x128xf32>, vector<128x256xf32>, vector<400x256xf32> -> vector<400x256xf32>
    %add3A_32 = arith.addf %dot_general3A_28, %dot_general3A_31 : vector<400x256xf32>
    %get3A_33 = arith.constant 0 : index
    %get3A_34 = arith.constant 0 : index
    %get3A_35 = vector.load %arg1[%get3A_33, %get3A_34] : memref<400x256xf32, #tpu.memory_space<vmem>>, vector<400x256xf32>
    %get3A_36 = arith.constant 0 : index
    %get3A_37 = arith.constant 0 : index
    %get3A_38 = vector.load %arg5[%get3A_36, %get3A_37] : memref<256x256xf32, #tpu.memory_space<vmem>>, vector<256x256xf32>
    %dot_general3A_39 = arith.constant dense<0.000000e+00> : vector<400x256xf32>
    %dot_general3A_40 = tpu.matmul %get3A_35, %get3A_38, %dot_general3A_39 {dimension_numbers = #tpu.dot_dimension_numbers<[1], [0], [0], [1], [0, 0, 1, 1], [], []>, transpose_lhs_hint = false} : vector<400x256xf32>, vector<256x256xf32>, vector<400x256xf32> -> vector<400x256xf32>
    %add3A_41 = arith.addf %add3A_32, %dot_general3A_40 : vector<400x256xf32>
    %get3A_42 = arith.constant 0 : index
    %get3A_43 = arith.constant 0 : index
    %get3A_44 = vector.load %arg6[%get3A_42, %get3A_43] : memref<1x256xf32, #tpu.memory_space<vmem>>, vector<1x256xf32>
    %add3A_45 = vector.broadcast %get3A_44 : vector<1x256xf32> to vector<400x256xf32>
    %add3A_46 = arith.addf %add3A_41, %add3A_45 : vector<400x256xf32>
    %swap3A = arith.constant 0 : index
    %swap3A_47 = arith.constant 0 : index
    %swap3A_48 = vector.load %arg9[%swap3A, %swap3A_47] : memref<400x256xf32, #tpu.memory_space<vmem>>, vector<400x256xf32>
    tpu.vector_store %arg9[%swap3A, %swap3A_47], %add3A_46 {strides = array<i32>} : memref<400x256xf32, #tpu.memory_space<vmem>>, vector<400x256xf32>,
    %get3A_49 = arith.constant 0 : index
    %get3A_50 = arith.constant 0 : index
    %get3A_51 = vector.load %arg7[%get3A_49, %get3A_50] : memref<256x1xf32, #tpu.memory_space<vmem>>, vector<256x1xf32>
    %dot_general3A_52 = arith.constant dense<0.000000e+00> : vector<400x1xf32>
    %dot_general3A_53 = tpu.matmul %add3A_46, %get3A_51, %dot_general3A_52 {dimension_numbers = #tpu.dot_dimension_numbers<[1], [0], [0], [1], [0, 0, 1, 1], [], []>, transpose_lhs_hint = false} : vector<400x256xf32>, vector<256x1xf32>, vector<400x1xf32> -> vector<400x1xf32>
    %get3A_54 = arith.constant 0 : index
    %get3A_55 = arith.constant 0 : index
    %get3A_56 = vector.load %arg8[%get3A_54, %get3A_55] : memref<1x1xf32, #tpu.memory_space<vmem>>, vector<1x1xf32>
    %add3A_57 = vector.broadcast %get3A_56 : vector<1x1xf32> to vector<400x1xf32>
    %add3A_58 = arith.addf %dot_general3A_53, %add3A_57 : vector<400x1xf32>
    %swap3A_59 = arith.constant 0 : index
    %swap3A_60 = arith.constant 0 : index
    %swap3A_61 = vector.load %arg10[%swap3A_59, %swap3A_60] : memref<400x1xf32, #tpu.memory_space<vmem>>, vector<400x1xf32>
    tpu.vector_store %arg10[%swap3A_59, %swap3A_60], %add3A_58 {strides = array<i32>} : memref<400x1xf32, #tpu.memory_space<vmem>>, vector<400x1xf32>,
    return
  }
  func.func @transform_0(%arg0: i32) -> (i32, i32) {
    %c0_i32 = arith.constant 0 : i32
    %c0_i32_0 = arith.constant 0 : i32
    return %arg0, %c0_i32 : i32, i32
  }
  func.func @transform_1(%arg0: i32) -> (i32, i32, i32) {
    %c0_i32 = arith.constant 0 : i32
    %c0_i32_0 = arith.constant 0 : i32
    %c0_i32_1 = arith.constant 0 : i32
    return %c0_i32, %arg0, %c0_i32_0 : i32, i32, i32
  }
  func.func @transform_2(%arg0: i32) -> (i32, i32) {
    %c0_i32 = arith.constant 0 : i32
    %c0_i32_0 = arith.constant 0 : i32
    return %arg0, %c0_i32 : i32, i32
  }
  func.func @transform_3(%arg0: i32) -> (i32, i32) {
    %c0_i32 = arith.constant 0 : i32
    %c0_i32_0 = arith.constant 0 : i32
    %c0_i32_1 = arith.constant 0 : i32
    return %c0_i32, %c0_i32_0 : i32, i32
  }
  func.func @transform_4(%arg0: i32) -> (i32, i32) {
    %c0_i32 = arith.constant 0 : i32
    %c0_i32_0 = arith.constant 0 : i32
    %c0_i32_1 = arith.constant 0 : i32
    return %c0_i32, %c0_i32_0 : i32, i32
  }
  func.func @transform_5(%arg0: i32) -> (i32, i32) {
    %c0_i32 = arith.constant 0 : i32
    %c0_i32_0 = arith.constant 0 : i32
    %c0_i32_1 = arith.constant 0 : i32
    return %c0_i32, %c0_i32_0 : i32, i32
  }
  func.func @transform_6(%arg0: i32) -> (i32, i32) {
    %c0_i32 = arith.constant 0 : i32
    %c0_i32_0 = arith.constant 0 : i32
    %c0_i32_1 = arith.constant 0 : i32
    return %c0_i32, %c0_i32_0 : i32, i32
  }
  func.func @transform_7(%arg0: i32) -> (i32, i32) {
    %c0_i32 = arith.constant 0 : i32
    %c0_i32_0 = arith.constant 0 : i32
    %c0_i32_1 = arith.constant 0 : i32
    return %c0_i32, %c0_i32_0 : i32, i32
  }
  func.func @transform_8(%arg0: i32) -> (i32, i32) {
    %c0_i32 = arith.constant 0 : i32
    %c0_i32_0 = arith.constant 0 : i32
    return %arg0, %c0_i32 : i32, i32
  }
  func.func @transform_9(%arg0: i32) -> (i32, i32) {
    %c0_i32 = arith.constant 0 : i32
    %c0_i32_0 = arith.constant 0 : i32
    return %arg0, %c0_i32 : i32, i32
  }
}

</mosaic_0001>

<sc_bundles>
// kernel: kernel.6.cloned.1.call-start
scs
__scs_entry_jumppad:
0x0: {  	(pc) =	sbr.rel $0x88, $3  }
0x1: {  	(tag) =	ssettag $0x0;
	lr =	simm.s32 $0x1  }
0x2: {  	[smem:$0x3F97] =	sst lr;
	_ =	strace $0xD0000000  }
0x3: {  	_ = 	snop  }
0x4: {  	_ = 	snop  }
0x5: {  	_ = 	snop  }
0x6: {  	_ = 	snop  }
0x7: {  	_ = 	snop  }
__scs_overlays_trampoline_lowered:
0x8: {  	[smem:$0x3FA6] =	sst s0  }
0x9: {  	[smem:$0x3FA7] =	sst s1  }
0xa: {  	[smem:$0x3FA8] =	sst s2  }
0xb: {  	[smem:$0x3FA9] =	sst s3  }
0xc: {  	[smem:$0x3FAA] =	sst s4  }
0xd: {  	[smem:$0x3FAB] =	sst s5  }
0xe: {  	[smem:$0x3FAC] =	sst s6  }
0xf: {  	[smem:$0x3FAD] =	sst s7  }
0x10: {  	[smem:$0x3FAE] =	sst s8  }
0x11: {  	[smem:$0x3FAF] =	sst s9;
	s0 =	simm.s32 @!p0 $0x0  }
0x12: {  	s1 =	sld [smem:$0x3F95];
	s0 =	simm.s32 @p0 $0x1  }
0x13: {  	[smem:$0x3FB0] =	sst s0;
	s0 =	simm.s32 @!p1 $0x0  }
0x14: {  	s2 =	sld [smem:$0x3F94];
	s0 =	simm.s32 @p1 $0x1  }
0x15: {  	[smem:$0x3FB1] =	sst s0;
	s0 =	simm.s32 @!p2 $0x0  }
0x16: {  	s3 =	sld [smem:$0x3FDB];
	s0 =	simm.s32 @p2 $0x1  }
0x17: {  	s4 =	simm.s32 $0x1BF5;
	[smem:$0x3FB3] =	sst s0  }
0x18: {  	s0 =	sld [smem:$0x3F96];
	_ =	swait.ge [sflag:s4], $0x0  }
0x19: {  	s7 =	sld [smem:$0x3F97]  }
0x1a: {  	s8 =	sadd.s32 $0xFFFFE003, lr  }
0x1b: {  	s9 =	sadd.s32 $0xFFFFFEF7, lr;
	s5 =	simm.s32 $0xFFFFFFFF;
	p2 =	slt.u32 s8, $0xFFFFF086  }
0x1c: {  	p1 =	slt.u32 s9, $0xF7A;
	s5 =	simm.s32 @!p2 $0x0  }
0x1d: {  	s5 =	simm.s32 @p1 $0x1;
	p0 =	seq.s32 s7, s2  }
0x1e: {  	s7 =	smul.u32 @!p0 $0xF7A, s2;
	p2 =	seq.s32 @!p0 s5, $0x0  }
0x1f: {  	s9 =	smul.u32 $0xF7A, s1;
	s8 =	simm.s32 @!p0 $0x1BF5;
	p2 =	por !p2, p0  }
0x20: {  	[sflag:s8] =	ssyncset.s32 @!p0 $0xFFFFF086;
	s6 =	sadd.s32 @!p0 s3, s7;
	s7 =	simm.s32 @!p0 $0x108  }
0x21: {  	s3 =	sadd.s32 s3, s9;
	s6 =	sadd.s32 @!p0 $0x88, s6;
	s7 =	simm.s32 @p2 $0x1082  }
0x22: {  	[simem:s7], [sflag:s8] =	dma.local @!p0 [hbm:s6], $0xF7A  }
0x23: {  	s9 =	sor.u32 $0xD0000000, s2;
	s6 =	simm.s32 $0x108;
	_ =	swait.ge @!p0 [sflag:s8], $0x0  }
0x24: {  	s3 =	sadd.s32 $0x88, s3;
	s6 =	simm.s32 @!p1 $0x1082;
	[sflag:s4] =	ssyncset.s32 $0xFFFFF086  }
0x25: {  	[simem:s6], [sflag:s4] =	dma.local [hbm:s3], $0xF7A  }
0x26: {  	[smem:$0x3F97] =	sst s1;
	(tag) =	ssettag s2;
	_ =	strace s9  }
0x27: {  	s1 =	sld [smem:$0x3FA7]  }
0x28: {  	s2 =	sld [smem:$0x3FA8]  }
0x29: {  	s4 =	sld [smem:$0x3FAA]  }
0x2a: {  	p0 =	seq.s32 s5, $0x0;
	s5 =	sld [smem:$0x3FAB]  }
0x2b: {  	s6 =	sld [smem:$0x3FAC]  }
0x2c: {  	s7 =	sld [smem:$0x3FAD]  }
0x2d: {  	s3 =	simm.s32 $0x108;
	s8 =	sld [smem:$0x3FAE]  }
0x2e: {  	s3 =	simm.s32 @!p0 $0x1082;
	s9 =	sld [smem:$0x3FAF]  }
0x2f: {  	lr =	sadd.s32 s0, s3;
	s0 =	sld [smem:$0x3FA6]  }
0x30: {  	s3 =	sld [smem:$0x3FA9]  }
0x31: {  	[smem:$0x3FB2] =	sst s10  }
0x32: {  	s10 =	sld [smem:$0x3FB0];
	_ =	sdelay $0x3  }
0x33: {  	p0 =	seq.s32 s10, $0x1;
	s10 =	sld [smem:$0x3FB2];
	_ =	sdelay $0x3  }
0x34: {  	[smem:$0x3FB2] =	sst s10  }
0x35: {  	s10 =	sld [smem:$0x3FB1];
	_ =	sdelay $0x3  }
0x36: {  	p1 =	seq.s32 s10, $0x1;
	s10 =	sld [smem:$0x3FB2];
	_ =	sdelay $0x3  }
0x37: {  	[smem:$0x3FB2] =	sst s10  }
0x38: {  	s10 =	sld [smem:$0x3FB3]  }
0x39: {  	_ = 	snop;
	(pc) =	sbr.ind lr, $3  }
0x3a: {  	_ = 	snop  }
0x3b: {  	_ = 	snop  }
0x3c: {  	p2 =	seq.s32 s10, $0x1;
	s10 =	sld [smem:$0x3FB2]  }
0x3d: {  	_ =	shalt  }
0x3e: {  	_ =	shalt  }
0x3f: {  	_ =	shalt  }
0x40: {  	_ =	shalt  }
0x41: {  	_ =	shalt  }
0x42: {  	_ =	shalt  }
0x43: {  	_ =	shalt  }
0x44: {  	_ =	shalt  }
0x45: {  	_ =	shalt  }
0x46: {  	_ =	shalt  }
0x47: {  	_ =	shalt  }
0x48: {  	_ =	shalt  }
0x49: {  	_ =	shalt  }
0x4a: {  	_ =	shalt  }
0x4b: {  	_ =	shalt  }
0x4c: {  	_ =	shalt  }
0x4d: {  	_ =	shalt  }
0x4e: {  	_ =	shalt  }
0x4f: {  	_ =	shalt  }
0x50: {  	_ =	shalt  }
0x51: {  	_ =	shalt  }
0x52: {  	_ =	shalt  }
0x53: {  	_ =	shalt  }
0x54: {  	_ =	shalt  }
0x55: {  	_ =	shalt  }
0x56: {  	_ =	shalt  }
0x57: {  	_ =	shalt  }
0x58: {  	_ =	shalt  }
0x59: {  	_ =	shalt  }
0x5a: {  	_ =	shalt  }
0x5b: {  	_ =	shalt  }
0x5c: {  	_ =	shalt  }
0x5d: {  	_ =	shalt  }
0x5e: {  	_ =	shalt  }
0x5f: {  	_ =	shalt  }
0x60: {  	_ =	shalt  }
0x61: {  	_ =	shalt  }
0x62: {  	_ =	shalt  }
0x63: {  	_ =	shalt  }
0x64: {  	_ =	shalt  }
0x65: {  	_ =	shalt  }
0x66: {  	_ =	shalt  }
0x67: {  	_ =	shalt  }
0x68: {  	_ =	shalt  }
0x69: {  	_ =	shalt  }
0x6a: {  	_ =	shalt  }
0x6b: {  	_ =	shalt  }
0x6c: {  	_ =	shalt  }
0x6d: {  	_ =	shalt  }
0x6e: {  	_ =	shalt  }
0x6f: {  	_ =	shalt  }
0x70: {  	_ =	shalt  }
0x71: {  	_ =	shalt  }
0x72: {  	_ =	shalt  }
0x73: {  	_ =	shalt  }
0x74: {  	_ =	shalt  }
0x75: {  	_ =	shalt  }
0x76: {  	_ =	shalt  }
0x77: {  	_ =	shalt  }
0x78: {  	_ =	shalt  }
0x79: {  	_ =	shalt  }
0x7a: {  	_ =	shalt  }
0x7b: {  	_ =	shalt  }
0x7c: {  	_ =	shalt  }
0x7d: {  	_ =	shalt  }
0x7e: {  	_ =	shalt  }
0x7f: {  	_ =	shalt  }
0x80: {  	_ =	shalt  }
0x81: {  	_ =	shalt  }
0x82: {  	_ =	shalt  }
0x83: {  	_ =	shalt  }
0x84: {  	_ =	shalt  }
0x85: {  	_ =	shalt  }
0x86: {  	_ =	shalt  }
0x87: {  	_ =	shalt  }
.Lfunc_end0:
.L_simem_size_0:
called_computation_lowered:
.L_overlay_start_0:
0x88: {  	s2 =	sld [smem:$0x3FD9]  }
0x89: {  	s3 =	sld [smem:$0x3FFE];
	_ =	sdelay $0x1  }
0x8a: {  	s1 =	srdreg.scid  }
0x8b: {  	s0 =	sand.u32 $0x1, s1  }
0x8c: {  	s14 =	sshll.u32 s0, $0xA;
	s2 =	sadd.s32 s3, s2  }
0x8d: {  	s2 =	sadd.s32 s2, s14  }
0x8e: {  	[smem:$0x3FBE] =	sst s2  }
0x8f: {  	_ = 	snop  }
0x90: {  	s2 =	sld [smem:$0x3FD0];
	_ =	sdelay $0x2  }
0x91: {  	s4 =	simm.s32 $0xA;
	s5 =	simm.s32 $0x10;
	s15 =	sld [smem:$0x3FC9]  }
0x92: {  	[smem:s5], [sflag:s4] =	dma.local [hbm:s2], $0x1  }
0x93: {  	_ =	swait.eq [sflag:s4], $0x1  }
0x94: {  	s16 =	sld [smem:$0x10];
	[sflag:s4] =	ssyncset.done $0x0  }
0x95: {  	s17 =	sld [smem:$0x11];
	[sflag:s4] =	ssyncadd.s32 $0xFFFFFFFF  }
0x96: {  	s18 =	sld [smem:$0x12];
	(tm) =	ssettm $0x1  }
0x97: {  	s6 =	sld [smem:$0x3FFB];
	_ =	sdelay $0x3  }
0x98: {  	_ =	strace s6  }
0x99: {  	s6 =	sld [smem:$0x3FFC];
	_ =	sdelay $0x3  }
0x9a: {  	_ =	strace s6  }
0x9b: {  	s6 =	sld [smem:$0x3FFD];
	_ =	sdelay $0x3  }
0x9c: {  	_ =	strace s6  }
0x9d: {  	_ =	strace $0x8FFFFFFF  }
0x9e: {  	s19 =	sld [smem:$0x3FDB];
	_ =	sdelay $0x1  }
0x9f: {  	s7 =	simm.s32 $_scs_section_size  }
0xa0: {  	s8 =	simm.s32 $_size__tile_overlayer_lowered;
	s9 =	simm.s32 $_tile_overlayer_lowered  }
0xa1: {  	s22 =	simm.s32 $0x1BFF;
	s21 =	sshll.u32 s9, $0x1;
	s6 =	sadd.s32 s7, s19  }
0xa2: {  	s10 =	simm.s32 $0x0;
	s20 =	sshll.u32 s8, $0x1;
	s8 =	sadd.s32 s21, s6  }
0xa3: {  	[timem:s10], [sflag:s22] =	dma.local [hbm:s8], s20  }
0xa4: {  	_ =	swait.ge [sflag:s22], s20  }
0xa5: {  	s7 =	ssub.s32 $0x0, s20;
	[sflag:s22] =	ssyncset.done $0x0  }
0xa6: {  	[sflag:s22] =	ssyncadd.s32 s7;
	_ =	sdelay $0x1  }
0xa7: {  	s23 =	simm.s32 $0x1B8B  }
0xa8: {  	_ =	swait.ge [sflag:s23], $0x1  }
0xa9: {  	[sflag:s23] =	ssyncset.done $0x0  }
0xaa: {  	s25 =	simm.s32 $0x1B8E;
	s24 =	sld [smem:$0x3FFE];
	[sflag:s23] =	ssyncadd.s32 $0xFFFFFFFF  }
0xab: {  	s26 =	simm.s32 $execute0_lowered;
	[smem:$0x3FD2] =	sst s25  }
0xac: {  	s8 =	sshll.u32 s26, $0x1;
	_ =	strace $0x80000046;
	[dreg:$0x1] =	wrdreg $0xFFFFFFFF  }
0xad: {  	s28 =	simm.s32 $_size_execute0_lowered;
	s6 =	sadd.s32 s6, s8;
	[dreg:$0x0] =	wrdreg $0x0  }
0xae: {  	s8 =	sshll.u32 s28, $0x1;
	[dreg:$0x2] =	wrdreg s6  }
0xaf: {  	[dreg:$0x3] =	wrdreg s8  }
0xb0: {  	[dreg:$0x4] =	wrdreg $0xC0  }
0xb1: {  	_ =	task [dreg:s10], $0x5FFFF  }
0xb2: {  	[dreg:$0x1] =	wrdreg $0xFFFFFFFF  }
0xb3: {  	[dreg:$0x0] =	wrdreg $0x60  }
0xb4: {  	[dreg:$0x2] =	wrdreg s15  }
0xb5: {  	[dreg:$0x3] =	wrdreg s17  }
0xb6: {  	[dreg:$0x4] =	wrdreg s24  }
0xb7: {  	[dreg:$0x5] =	wrdreg s16  }
0xb8: {  	[dreg:$0x6] =	wrdreg s18  }
0xb9: {  	[dreg:$0x7] =	wrdreg $0x90800  }
0xba: {  	[dreg:$0x8] =	wrdreg $0x1CD000  }
0xbb: {  	[dreg:$0x9] =	wrdreg $0x9  }
0xbc: {  	_ =	task.clear_ibuf [dreg:s10], $0xAFFFF;
	_ =	strace $0x90000046  }
0xbd: {  	s29 =	simm.s32 $0x9;
	_ =	strace $0x80000048  }
0xbe: {  	_ =	swait.ge [sflag:s29], $0x1  }
0xbf: {  	[sflag:s29] =	ssyncadd.s32 $0xFFFFFFFF  }
0xc0: {  	_ =	strace $0x90000048  }
0xc1: {  	_ =	sfence  }
0xc2: {  	s30 =	sld [smem:$0x0];
	_ =	sdelay $0x2  }
0xc3: {  	s31 =	sshll.u32 s1, $0xD;
	s1 =	sshrl.u32 s1, $0x2  }
0xc4: {  	s3 =	sand.u32 $0x4000, s31;
	s1 =	sadd.s32 s1, s30  }
0xc5: {  	s0 =	sor.u32 s3, s0;
	s1 =	sshll.u32 s1, $0x11  }
0xc6: {  	s0 =	sor.u32 s1, s0  }
0xc7: {  	s0 =	sadd.s32 $0x8F2B, s0  }
0xc8: {  	[sflag:s0] =	ssyncadd.remote.s32 $0x1  }
0xc9: {  	_ =	sfence.sel $0xFFFF  }
0xca: {  	[dreg:$0x0] =	wrdreg $0xFFFFFFFF;
	(pc) =	sbr.abs _section_cstart, $3  }
0xcb: {  	[dreg:$0x1] =	wrdreg $0xFFFFFFFF  }
0xcc: {  	_ =	task.clear_ibuf [dreg:s10], $0x2FFFF;
	_ =	strace $0x9FFFFFFF  }
0xcd: {  	(tm) =	ssettm $0x7FFFFFFF  }
tec
execute0_lowered:
.L_overlay_start_1:
0x0: {  	(tag) =	ssettag $0x1  }
0x1: {  	s0 =	rddreg [dreg:$0x0]  }
0x2: {  	s1 =	rddreg [dreg:$0x1]  }
0x3: {  	s3 =	rddreg [dreg:$0x2]  }
0x4: {  	s6 =	rddreg [dreg:$0x4]  }
0x5: {  	s2 =	rddreg [dreg:$0x5]  }
0x6: {  	s5 =	srdreg.scid;
	s4 =	rddreg [dreg:$0x6]  }
0x7: {  	s9 =	stileid.u32;
	s19 =	simm.s32 $0x100;
	s21 =	simm.s32 $0x180  }
0x8: {  	s28 =	simm.s32 $0xA00;
	s29 =	simm.s32 $0xA80;
	s30 =	simm.s32 $0xB00  }
0x9: {  	s31 =	simm.s32 $0xB80;
	s7 =	sand.u32 $0x1, s5;
	s10 =	smul.u32 $0x13800, s9  }
0xa: {  	s5 =	simm.s32 $0x0;
	s15 =	smul.u32 $0x4E000, s9;
	s24 =	sshll.u32 s9, $0x6  }
0xb: {  	s25 =	smul.u32 $0x500, s9;
	s17 =	sadd.s32 $0x138000, s2;
	p0 =	sne.s32 s9, $0x0  }
0xc: {  	s9 =	simm.s32 $0x580;
	s8 =	smul.u32 $0x5000, s7;
	[smem:$0x7FF] =	sst s5  }
0xd: {  	s13 =	sshll.u32 s7, $0x4;
	s14 =	ssub.s32 $0x2, s7;
	s22 =	smul.u32 $0x138800, s7  }
0xe: {  	s7 =	sor.u32 $0x1C04, s24;
	_ =	strace $0x80000047;
	[dreg:$0xa] =	wrdreg s19  }
0xf: {  	s24 =	simm.s32 $0x280;
	s12 =	sshrl.u32 s10, $0x3;
	[dreg:$0xb] =	wrdreg s21  }
0x10: {  	s13 =	sadd.s32 s13, s3;
	s16 =	sshrl.u32 s14, $0x1;
	[dreg:$0xd] =	wrdreg s24  }
0x11: {  	s15 =	sshrl.u32 s15, $0x2;
	s19 =	simm.s32 $0x1000;
	[dreg:$0x13] =	wrdreg s9  }
0x12: {  	s21 =	simm.s32 $0x1;
	s24 =	simm.s32 $0x880;
	s9 =	simm.s32 $0xE00  }
0x13: {  	s11 =	sadd.s32 s8, s3;
	s12 =	sadd.s32 s12, s3;
	s3 =	sadd.s32 $0x33A00, s3  }
0x14: {  	s14 =	ssub.s32 s14, s16;
	s18 =	sadd.s32 $0x33C00, s13;
	[dreg:$0x1a] =	wrdreg s3  }
0x15: {  	s1 =	sadd.s32 s8, s1;
	s8 =	simm.s32 $0x500;
	[dreg:$0x1d] =	wrdreg s18  }
0x16: {  	s15 =	sadd.s32 s15, s2;
	s13 =	simm.s32 $0x780;
	[dreg:$0x12] =	wrdreg s8  }
0x17: {  	s10 =	sadd.s32 s10, s22;
	s23 =	sadd.s32 $0xCA00, s12;
	[dreg:$0x17] =	wrdreg s13  }
0x18: {  	s26 =	sshrl.u32 s10, $0x3;
	s1 =	sadd.s32 s25, s1;
	[dreg:$0x18] =	wrdreg s23  }
0x19: {  	s10 =	sshrl.u32 s22, $0x3;
	s20 =	smax.u32 s14, $0x1;
	[dreg:$0x9] =	wrdreg s1  }
0x1a: {  	s11 =	sadd.s32 s25, s11;
	s22 =	simm.s32 $0x200;
	[dreg:$0x1e] =	wrdreg s20  }
0x1b: {  	s14 =	simm.s32 $0x4;
	s25 =	simm.s32 $0x300;
	[dreg:$0xc] =	wrdreg s22  }
0x1c: {  	s18 =	simm.s32 $0x80;
	s12 =	simm.s32 $0x700;
	[dreg:$0xe] =	wrdreg s25  }
0x1d: {  	s8 =	simm.s32 $0xD80;
	s3 =	sadd.s32 s6, s26;
	[dreg:$0x16] =	wrdreg s12  }
0x1e: {  	s13 =	simm.s32 $0x3;
	s16 =	sadd.s32 $0x2A00, s11;
	[dreg:$0x1b] =	wrdreg s3  }
0x1f: {  	s23 =	sshrl.u32 s15, $0x3;
	s15 =	smov.u32 s7;
	[dreg:$0x8] =	wrdreg s16  }
0x20: {  	s26 =	simm.s32 $0x380;
	s7 =	simm.s32 $0x480;
	[dreg:$0x1f] =	wrdreg s23  }
0x21: {  	s20 =	simm.s32 $0x5000;
	s11 =	simm.s32 $0x680;
	[dreg:$0xf] =	wrdreg s26  }
0x22: {  	s22 =	simm.s32 $0x9000;
	s25 =	simm.s32 $0x900;
	[dreg:$0x11] =	wrdreg s7  }
0x23: {  	s1 =	simm.s32 $0xC80;
	s12 =	simm.s32 $0xF80;
	[dreg:$0x15] =	wrdreg s11  }
0x24: {  	s3 =	sadd.s32 s6, s10;
	s6 =	simm.s32 $0x400;
	[dreg:$0x19] =	wrdreg s15  }
0x25: {  	s10 =	simm.s32 $0x600;
	s23 =	simm.s32 $0x2;
	[dreg:$0x10] =	wrdreg s6  }
0x26: {  	s26 =	simm.s32 $0x980;
	s16 =	simm.s32 $0x0;
	[dreg:$0x14] =	wrdreg s10  }
0x27: {  	s11 =	simm.s32 $0xF00;
	s3 =	sadd.s32 $0x27000, s3;
	[smem:$0x7FD] =	sst s16  }
0x28: {  	s6 =	simm.s32 $0xD00;
	[dreg:$0x1c] =	wrdreg s3;
	s3 =	sshrl.u32 @!p0 s17, $0x3  }
0x29: {  	s10 =	simm.s32 $0xE80;
	[smem:$0x7FB] =	sst s3;
	s3 =	sshrl.u32 @!p0 s4, $0x3  }
0x2a: {  	v0 =	vimm.f32 $1.000000000e+00;
	s17 =	simm.s32 $0x800;
	[smem:$0x7FC] =	sst s3;
	s3 =	simm.s32 $0xC00  }
.LBB2_1:
0x2b: {  	[tilespmem:$0x9000] =	vst v0  }
0x2c: {  	[tilespmem:$0x9010] =	vst v0  }
0x2d: {  	[tilespmem:$0x9020] =	vst v0  }
0x2e: {  	[tilespmem:$0x9030] =	vst v0  }
0x2f: {  	[tilespmem:$0x9040] =	vst v0  }
0x30: {  	[tilespmem:$0x9050] =	vst v0  }
0x31: {  	[tilespmem:$0x9060] =	vst v0;
	s7 =	rddreg [dreg:$0x18]  }
0x32: {  	[tilespmem:$0x9070] =	vst v0;
	s16 =	rddreg [dreg:$0x1f]  }
0x33: {  	[spmem:s16], [sflag:s15] =	dma.local [hbm:s7], $0x2700  }
0x34: {  	_ =	swait.ge [sflag:s14], $0x2700  }
0x35: {  	s16 =	sld [smem:$0x7FB]  }
0x36: {  	[sflag:s14] =	ssyncset.done $0x0  }
0x37: {  	s7 =	rddreg [dreg:$0x1a];
	[sflag:s14] =	ssyncadd.s32 $0xFFFFD900  }
0x38: {  	[spmem:s16], [sflag:s15] =	dma.local @!p0 [hbm:s7], $0x100  }
0x39: {  	s7 =	simm.s32 @!p0 $0x4  }
0x3a: {  	_ =	swait.ge @!p0 [sflag:s7], $0x100  }
0x3b: {  	[sflag:s7] =	ssyncset.done @!p0 $0x0;
	s15 =	sld [smem:$0x7FC]  }
0x3c: {  	s16 =	rddreg [dreg:$0x19];
	[sflag:s7] =	ssyncadd.s32 @!p0 $0xFFFFFF00  }
0x3d: {  	s7 =	rddreg [dreg:$0x3]  }
0x3e: {  	[spmem:s15], [sflag:s16] =	dma.local @!p0 [hbm:s7], $0x500  }
0x3f: {  	s7 =	simm.s32 @!p0 $0x4  }
0x40: {  	_ =	swait.ge @!p0 [sflag:s7], $0x500  }
0x41: {  	[sflag:s7] =	ssyncset.done @!p0 $0x0  }
0x42: {  	[sflag:s7] =	ssyncadd.s32 @!p0 $0xFFFFFB00  }
0x43: {  	[bflag:$0x0] =	sbarrier.arrive $0xFFFF  }
0x44: {  	s7 =	rddreg [dreg:$0x9]  }
0x45: {  	s16 =	sadd.s32 $0x0, s7  }
0x46: {  	[tilespmem:s5], [sflag:$0x4] =	stream.linear.gather [hbm4b:s16+s5], $0x800, $0x38;
	[tilespmem:$0x1CF80] =	vst v63  }
0x47: {  	_ =	swait.ge [sflag:s14], $0x800  }
0x48: {  	s15 =	rddreg [dreg:$0x8];
	[sflag:s14] =	ssyncset.done $0x0  }
0x49: {  	[sflag:s14] =	ssyncadd.s32 $0xFFFFF800;
	s16 =	sadd.s32 $0x0, s15  }
0x4a: {  	[tilespmem:s17], [sflag:$0x4] =	stream.linear.gather [hbm4b:s16+s5], $0x800, $0x38;
	[tilespmem:$0x1CF80] =	vst v63  }
0x4b: {  	_ =	swait.ge [sflag:s14], $0x800  }
0x4c: {  	[sflag:s14] =	ssyncset.done $0x0  }
0x4d: {  	[sflag:s14] =	ssyncadd.s32 $0xFFFFF800  }
0x4e: {  	[tilespmem:s19], [sflag:$0x1] =	stream.indirect.gather [hbm4b:s0+s18], $0x80, s5, s18, $0xb8;
	[tilespmem:$0x1CF80] =	vst v63  }
0x4f: {  	_ = 	snop  }
0x50: {  	[tilespmem:s20], [sflag:$0x2] =	stream.indirect.gather [hbm4b:s0+s18], $0x80, s18, s18, $0xb8;
	[tilespmem:$0x1CF80] =	vst v63  }
0x51: {  	_ =	swait.ge [sflag:s21], $0x4000  }
0x52: {  	[sflag:s21] =	ssyncset.done $0x0  }
0x53: {  	[sflag:s21] =	ssyncadd.s32 $0xFFFFC000  }
0x54: {  	[spmem:s2] =	stream.indirect.scatter.add.f32 [tilespmem:s19], [sflag:$0x4], $0x80, s17, s18, $0xb8;
	[tilespmem:$0x1CF80] =	vst v63  }
0x55: {  	_ =	swait.ge [sflag:s14], $0x4000  }
0x56: {  	[sflag:s14] =	ssyncset.done $0x0  }
0x57: {  	[sflag:s14] =	ssyncadd.s32 $0xFFFFC000  }
0x58: {  	[spmem:s4] =	stream.indirect.scatter.add.f32 [tilespmem:s22], [sflag:$0x3], $0x1, s17, s18, $0xb8;
	[tilespmem:$0x1CF80] =	vst v63  }
0x59: {  	s7 =	rddreg [dreg:$0xa]  }
0x5a: {  	[tilespmem:s19], [sflag:$0x1] =	stream.indirect.gather [hbm4b:s0+s18], $0x80, s7, s18, $0xb8;
	[tilespmem:$0x1CF80] =	vst v63  }
0x5b: {  	_ =	swait.ge [sflag:s23], $0x4000  }
0x5c: {  	[sflag:s23] =	ssyncset.done $0x0  }
0x5d: {  	[sflag:s23] =	ssyncadd.s32 $0xFFFFC000  }
0x5e: {  	[spmem:s2] =	stream.indirect.scatter.add.f32 [tilespmem:s20], [sflag:$0x4], $0x80, s24, s18, $0xb8;
	[tilespmem:$0x1CF80] =	vst v63  }
0x5f: {  	_ =	swait.ge [sflag:s14], $0x4000  }
0x60: {  	[sflag:s14] =	ssyncset.done $0x0  }
0x61: {  	[sflag:s14] =	ssyncadd.s32 $0xFFFFC000  }
0x62: {  	[spmem:s4] =	stream.indirect.scatter.add.f32 [tilespmem:s22], [sflag:$0x3], $0x1, s24, s18, $0xb8;
	[tilespmem:$0x1CF80] =	vst v63  }
0x63: {  	s15 =	rddreg [dreg:$0xb]  }
0x64: {  	[tilespmem:s20], [sflag:$0x2] =	stream.indirect.gather [hbm4b:s0+s18], $0x80, s15, s18, $0xb8;
	[tilespmem:$0x1CF80] =	vst v63  }
0x65: {  	_ =	swait.ge [sflag:s21], $0x4000  }
0x66: {  	[sflag:s21] =	ssyncset.done $0x0  }
0x67: {  	[sflag:s21] =	ssyncadd.s32 $0xFFFFC000  }
0x68: {  	[spmem:s2] =	stream.indirect.scatter.add.f32 [tilespmem:s19], [sflag:$0x4], $0x80, s25, s18, $0xb8;
	[tilespmem:$0x1CF80] =	vst v63  }
0x69: {  	_ =	swait.ge [sflag:s14], $0x4000  }
0x6a: {  	[sflag:s14] =	ssyncset.done $0x0  }
0x6b: {  	[sflag:s14] =	ssyncadd.s32 $0xFFFFC000  }
0x6c: {  	[spmem:s4] =	stream.indirect.scatter.add.f32 [tilespmem:s22], [sflag:$0x3], $0x1, s25, s18, $0xb8;
	[tilespmem:$0x1CF80] =	vst v63  }
0x6d: {  	s7 =	rddreg [dreg:$0xc]  }
0x6e: {  	[tilespmem:s19], [sflag:$0x1] =	stream.indirect.gather [hbm4b:s0+s18], $0x80, s7, s18, $0xb8;
	[tilespmem:$0x1CF80] =	vst v63  }
0x6f: {  	_ =	swait.ge [sflag:s23], $0x4000  }
0x70: {  	[sflag:s23] =	ssyncset.done $0x0  }
0x71: {  	[sflag:s23] =	ssyncadd.s32 $0xFFFFC000  }
0x72: {  	[spmem:s2] =	stream.indirect.scatter.add.f32 [tilespmem:s20], [sflag:$0x4], $0x80, s26, s18, $0xb8;
	[tilespmem:$0x1CF80] =	vst v63  }
0x73: {  	_ =	swait.ge [sflag:s14], $0x4000  }
0x74: {  	[sflag:s14] =	ssyncset.done $0x0  }
0x75: {  	[sflag:s14] =	ssyncadd.s32 $0xFFFFC000  }
0x76: {  	[spmem:s4] =	stream.indirect.scatter.add.f32 [tilespmem:s22], [sflag:$0x3], $0x1, s26, s18, $0xb8;
	[tilespmem:$0x1CF80] =	vst v63  }
0x77: {  	s15 =	rddreg [dreg:$0xd]  }
0x78: {  	[tilespmem:s20], [sflag:$0x2] =	stream.indirect.gather [hbm4b:s0+s18], $0x80, s15, s18, $0xb8;
	[tilespmem:$0x1CF80] =	vst v63  }
0x79: {  	_ =	swait.ge [sflag:s21], $0x4000  }
0x7a: {  	[sflag:s21] =	ssyncset.done $0x0  }
0x7b: {  	[sflag:s21] =	ssyncadd.s32 $0xFFFFC000  }
0x7c: {  	[spmem:s2] =	stream.indirect.scatter.add.f32 [tilespmem:s19], [sflag:$0x4], $0x80, s28, s18, $0xb8;
	[tilespmem:$0x1CF80] =	vst v63  }
0x7d: {  	_ =	swait.ge [sflag:s14], $0x4000  }
0x7e: {  	[sflag:s14] =	ssyncset.done $0x0  }
0x7f: {  	[sflag:s14] =	ssyncadd.s32 $0xFFFFC000  }
0x80: {  	[spmem:s4] =	stream.indirect.scatter.add.f32 [tilespmem:s22], [sflag:$0x3], $0x1, s28, s18, $0xb8;
	[tilespmem:$0x1CF80] =	vst v63  }
0x81: {  	s7 =	rddreg [dreg:$0xe]  }
0x82: {  	[tilespmem:s19], [sflag:$0x1] =	stream.indirect.gather [hbm4b:s0+s18], $0x80, s7, s18, $0xb8;
	[tilespmem:$0x1CF80] =	vst v63  }
0x83: {  	_ =	swait.ge [sflag:s23], $0x4000  }
0x84: {  	[sflag:s23] =	ssyncset.done $0x0  }
0x85: {  	[sflag:s23] =	ssyncadd.s32 $0xFFFFC000  }
0x86: {  	[spmem:s2] =	stream.indirect.scatter.add.f32 [tilespmem:s20], [sflag:$0x4], $0x80, s29, s18, $0xb8;
	[tilespmem:$0x1CF80] =	vst v63  }
0x87: {  	_ =	swait.ge [sflag:s14], $0x4000  }
0x88: {  	[sflag:s14] =	ssyncset.done $0x0  }
0x89: {  	[sflag:s14] =	ssyncadd.s32 $0xFFFFC000  }
0x8a: {  	[spmem:s4] =	stream.indirect.scatter.add.f32 [tilespmem:s22], [sflag:$0x3], $0x1, s29, s18, $0xb8;
	[tilespmem:$0x1CF80] =	vst v63  }
0x8b: {  	s15 =	rddreg [dreg:$0xf]  }
0x8c: {  	[tilespmem:s20], [sflag:$0x2] =	stream.indirect.gather [hbm4b:s0+s18], $0x80, s15, s18, $0xb8;
	[tilespmem:$0x1CF80] =	vst v63  }
0x8d: {  	_ =	swait.ge [sflag:s21], $0x4000  }
0x8e: {  	[sflag:s21] =	ssyncset.done $0x0  }
0x8f: {  	[sflag:s21] =	ssyncadd.s32 $0xFFFFC000  }
0x90: {  	[spmem:s2] =	stream.indirect.scatter.add.f32 [tilespmem:s19], [sflag:$0x4], $0x80, s30, s18, $0xb8;
	[tilespmem:$0x1CF80] =	vst v63  }
0x91: {  	_ =	swait.ge [sflag:s14], $0x4000  }
0x92: {  	[sflag:s14] =	ssyncset.done $0x0  }
0x93: {  	[sflag:s14] =	ssyncadd.s32 $0xFFFFC000  }
0x94: {  	[spmem:s4] =	stream.indirect.scatter.add.f32 [tilespmem:s22], [sflag:$0x3], $0x1, s30, s18, $0xb8;
	[tilespmem:$0x1CF80] =	vst v63  }
0x95: {  	s7 =	rddreg [dreg:$0x10]  }
0x96: {  	[tilespmem:s19], [sflag:$0x1] =	stream.indirect.gather [hbm4b:s0+s18], $0x80, s7, s18, $0xb8;
	[tilespmem:$0x1CF80] =	vst v63  }
0x97: {  	_ =	swait.ge [sflag:s23], $0x4000  }
0x98: {  	[sflag:s23] =	ssyncset.done $0x0  }
0x99: {  	[sflag:s23] =	ssyncadd.s32 $0xFFFFC000  }
0x9a: {  	[spmem:s2] =	stream.indirect.scatter.add.f32 [tilespmem:s20], [sflag:$0x4], $0x80, s31, s18, $0xb8;
	[tilespmem:$0x1CF80] =	vst v63  }
0x9b: {  	_ =	swait.ge [sflag:s14], $0x4000  }
0x9c: {  	[sflag:s14] =	ssyncset.done $0x0  }
0x9d: {  	[sflag:s14] =	ssyncadd.s32 $0xFFFFC000  }
0x9e: {  	[spmem:s4] =	stream.indirect.scatter.add.f32 [tilespmem:s22], [sflag:$0x3], $0x1, s31, s18, $0xb8;
	[tilespmem:$0x1CF80] =	vst v63  }
0x9f: {  	s15 =	rddreg [dreg:$0x11]  }
0xa0: {  	[tilespmem:s20], [sflag:$0x2] =	stream.indirect.gather [hbm4b:s0+s18], $0x80, s15, s18, $0xb8;
	[tilespmem:$0x1CF80] =	vst v63  }
0xa1: {  	_ =	swait.ge [sflag:s21], $0x4000  }
0xa2: {  	[sflag:s21] =	ssyncset.done $0x0  }
0xa3: {  	[sflag:s21] =	ssyncadd.s32 $0xFFFFC000  }
0xa4: {  	[spmem:s2] =	stream.indirect.scatter.add.f32 [tilespmem:s19], [sflag:$0x4], $0x80, s3, s18, $0xb8;
	[tilespmem:$0x1CF80] =	vst v63  }
0xa5: {  	_ =	swait.ge [sflag:s14], $0x4000  }
0xa6: {  	[sflag:s14] =	ssyncset.done $0x0  }
0xa7: {  	[sflag:s14] =	ssyncadd.s32 $0xFFFFC000  }
0xa8: {  	[spmem:s4] =	stream.indirect.scatter.add.f32 [tilespmem:s22], [sflag:$0x3], $0x1, s3, s18, $0xb8;
	[tilespmem:$0x1CF80] =	vst v63  }
0xa9: {  	s7 =	rddreg [dreg:$0x12]  }
0xaa: {  	[tilespmem:s19], [sflag:$0x1] =	stream.indirect.gather [hbm4b:s0+s18], $0x80, s7, s18, $0xb8;
	[tilespmem:$0x1CF80] =	vst v63  }
0xab: {  	_ =	swait.ge [sflag:s23], $0x4000  }
0xac: {  	[sflag:s23] =	ssyncset.done $0x0  }
0xad: {  	[sflag:s23] =	ssyncadd.s32 $0xFFFFC000  }
0xae: {  	[spmem:s2] =	stream.indirect.scatter.add.f32 [tilespmem:s20], [sflag:$0x4], $0x80, s1, s18, $0xb8;
	[tilespmem:$0x1CF80] =	vst v63  }
0xaf: {  	_ =	swait.ge [sflag:s14], $0x4000  }
0xb0: {  	[sflag:s14] =	ssyncset.done $0x0  }
0xb1: {  	[sflag:s14] =	ssyncadd.s32 $0xFFFFC000  }
0xb2: {  	[spmem:s4] =	stream.indirect.scatter.add.f32 [tilespmem:s22], [sflag:$0x3], $0x1, s1, s18, $0xb8;
	[tilespmem:$0x1CF80] =	vst v63  }
0xb3: {  	s15 =	rddreg [dreg:$0x13]  }
0xb4: {  	[tilespmem:s20], [sflag:$0x2] =	stream.indirect.gather [hbm4b:s0+s18], $0x80, s15, s18, $0xb8;
	[tilespmem:$0x1CF80] =	vst v63  }
0xb5: {  	_ =	swait.ge [sflag:s21], $0x4000  }
0xb6: {  	[sflag:s21] =	ssyncset.done $0x0  }
0xb7: {  	[sflag:s21] =	ssyncadd.s32 $0xFFFFC000  }
0xb8: {  	[spmem:s2] =	stream.indirect.scatter.add.f32 [tilespmem:s19], [sflag:$0x4], $0x80, s6, s18, $0xb8;
	[tilespmem:$0x1CF80] =	vst v63  }
0xb9: {  	_ =	swait.ge [sflag:s14], $0x4000  }
0xba: {  	[sflag:s14] =	ssyncset.done $0x0  }
0xbb: {  	[sflag:s14] =	ssyncadd.s32 $0xFFFFC000  }
0xbc: {  	[spmem:s4] =	stream.indirect.scatter.add.f32 [tilespmem:s22], [sflag:$0x3], $0x1, s6, s18, $0xb8;
	[tilespmem:$0x1CF80] =	vst v63  }
0xbd: {  	s7 =	rddreg [dreg:$0x14]  }
0xbe: {  	[tilespmem:s19], [sflag:$0x1] =	stream.indirect.gather [hbm4b:s0+s18], $0x80, s7, s18, $0xb8;
	[tilespmem:$0x1CF80] =	vst v63  }
0xbf: {  	_ =	swait.ge [sflag:s23], $0x4000  }
0xc0: {  	[sflag:s23] =	ssyncset.done $0x0  }
0xc1: {  	[sflag:s23] =	ssyncadd.s32 $0xFFFFC000  }
0xc2: {  	[spmem:s2] =	stream.indirect.scatter.add.f32 [tilespmem:s20], [sflag:$0x4], $0x80, s8, s18, $0xb8;
	[tilespmem:$0x1CF80] =	vst v63  }
0xc3: {  	_ =	swait.ge [sflag:s14], $0x4000  }
0xc4: {  	[sflag:s14] =	ssyncset.done $0x0  }
0xc5: {  	[sflag:s14] =	ssyncadd.s32 $0xFFFFC000  }
0xc6: {  	[spmem:s4] =	stream.indirect.scatter.add.f32 [tilespmem:s22], [sflag:$0x3], $0x1, s8, s18, $0xb8;
	[tilespmem:$0x1CF80] =	vst v63  }
0xc7: {  	s15 =	rddreg [dreg:$0x15]  }
0xc8: {  	[tilespmem:s20], [sflag:$0x2] =	stream.indirect.gather [hbm4b:s0+s18], $0x80, s15, s18, $0xb8;
	[tilespmem:$0x1CF80] =	vst v63  }
0xc9: {  	_ =	swait.ge [sflag:s21], $0x4000  }
0xca: {  	[sflag:s21] =	ssyncset.done $0x0  }
0xcb: {  	[sflag:s21] =	ssyncadd.s32 $0xFFFFC000  }
0xcc: {  	[spmem:s2] =	stream.indirect.scatter.add.f32 [tilespmem:s19], [sflag:$0x4], $0x80, s9, s18, $0xb8;
	[tilespmem:$0x1CF80] =	vst v63  }
0xcd: {  	_ =	swait.ge [sflag:s14], $0x4000  }
0xce: {  	[sflag:s14] =	ssyncset.done $0x0  }
0xcf: {  	[sflag:s14] =	ssyncadd.s32 $0xFFFFC000  }
0xd0: {  	[spmem:s4] =	stream.indirect.scatter.add.f32 [tilespmem:s22], [sflag:$0x3], $0x1, s9, s18, $0xb8;
	[tilespmem:$0x1CF80] =	vst v63  }
0xd1: {  	s7 =	rddreg [dreg:$0x16]  }
0xd2: {  	[tilespmem:s19], [sflag:$0x1] =	stream.indirect.gather [hbm4b:s0+s18], $0x80, s7, s18, $0xb8;
	[tilespmem:$0x1CF80] =	vst v63  }
0xd3: {  	_ =	swait.ge [sflag:s23], $0x4000  }
0xd4: {  	[sflag:s23] =	ssyncset.done $0x0  }
0xd5: {  	[sflag:s23] =	ssyncadd.s32 $0xFFFFC000  }
0xd6: {  	[spmem:s2] =	stream.indirect.scatter.add.f32 [tilespmem:s20], [sflag:$0x4], $0x80, s10, s18, $0xb8;
	[tilespmem:$0x1CF80] =	vst v63  }
0xd7: {  	_ =	swait.ge [sflag:s14], $0x4000  }
0xd8: {  	[sflag:s14] =	ssyncset.done $0x0  }
0xd9: {  	[sflag:s14] =	ssyncadd.s32 $0xFFFFC000  }
0xda: {  	[spmem:s4] =	stream.indirect.scatter.add.f32 [tilespmem:s22], [sflag:$0x3], $0x1, s10, s18, $0xb8;
	[tilespmem:$0x1CF80] =	vst v63  }
0xdb: {  	s15 =	rddreg [dreg:$0x17]  }
0xdc: {  	[tilespmem:s20], [sflag:$0x2] =	stream.indirect.gather [hbm4b:s0+s18], $0x80, s15, s18, $0xb8;
	[tilespmem:$0x1CF80] =	vst v63  }
0xdd: {  	_ =	swait.ge [sflag:s21], $0x4000  }
0xde: {  	[sflag:s21] =	ssyncset.done $0x0  }
0xdf: {  	[sflag:s21] =	ssyncadd.s32 $0xFFFFC000  }
0xe0: {  	[spmem:s2] =	stream.indirect.scatter.add.f32 [tilespmem:s19], [sflag:$0x4], $0x80, s11, s18, $0xb8;
	[tilespmem:$0x1CF80] =	vst v63  }
0xe1: {  	_ =	swait.ge [sflag:s14], $0x4000  }
0xe2: {  	[sflag:s14] =	ssyncset.done $0x0  }
0xe3: {  	[sflag:s14] =	ssyncadd.s32 $0xFFFFC000  }
0xe4: {  	[spmem:s4] =	stream.indirect.scatter.add.f32 [tilespmem:s22], [sflag:$0x3], $0x1, s11, s18, $0xb8;
	[tilespmem:$0x1CF80] =	vst v63  }
0xe5: {  	_ =	swait.ge [sflag:s23], $0x4000  }
0xe6: {  	[sflag:s23] =	ssyncset.done $0x0  }
0xe7: {  	[sflag:s23] =	ssyncadd.s32 $0xFFFFC000  }
0xe8: {  	[spmem:s2] =	stream.indirect.scatter.add.f32 [tilespmem:s20], [sflag:$0x4], $0x80, s12, s18, $0xb8;
	[tilespmem:$0x1CF80] =	vst v63  }
0xe9: {  	_ =	swait.ge [sflag:s14], $0x4000  }
0xea: {  	[sflag:s14] =	ssyncset.done $0x0  }
0xeb: {  	[sflag:s14] =	ssyncadd.s32 $0xFFFFC000  }
0xec: {  	[spmem:s4] =	stream.indirect.scatter.add.f32 [tilespmem:s22], [sflag:$0x3], $0x1, s12, s18, $0xb8;
	[tilespmem:$0x1CF80] =	vst v63  }
0xed: {  	_ =	swait.ge [sflag:s13], $0x80  }
0xee: {  	[sflag:s13] =	ssyncset.done $0x0  }
0xef: {  	[sflag:s13] =	ssyncadd.s32 $0xFFFFFF80  }
0xf0: {  	_ =	swait.ge [sflag:s13], $0x80  }
0xf1: {  	[sflag:s13] =	ssyncset.done $0x0  }
0xf2: {  	[sflag:s13] =	ssyncadd.s32 $0xFFFFFF80  }
0xf3: {  	_ =	swait.ge [sflag:s13], $0x80  }
0xf4: {  	[sflag:s13] =	ssyncset.done $0x0  }
0xf5: {  	[sflag:s13] =	ssyncadd.s32 $0xFFFFFF80  }
0xf6: {  	_ =	swait.ge [sflag:s13], $0x80  }
0xf7: {  	[sflag:s13] =	ssyncset.done $0x0  }
0xf8: {  	[sflag:s13] =	ssyncadd.s32 $0xFFFFFF80  }
0xf9: {  	_ =	swait.ge [sflag:s13], $0x80  }
0xfa: {  	[sflag:s13] =	ssyncset.done $0x0  }
0xfb: {  	[sflag:s13] =	ssyncadd.s32 $0xFFFFFF80  }
0xfc: {  	_ =	swait.ge [sflag:s13], $0x80  }
0xfd: {  	[sflag:s13] =	ssyncset.done $0x0  }
0xfe: {  	[sflag:s13] =	ssyncadd.s32 $0xFFFFFF80  }
0xff: {  	_ =	swait.ge [sflag:s13], $0x80  }
0x100: {  	[sflag:s13] =	ssyncset.done $0x0  }
0x101: {  	[sflag:s13] =	ssyncadd.s32 $0xFFFFFF80  }
0x102: {  	_ =	swait.ge [sflag:s13], $0x80  }
0x103: {  	[sflag:s13] =	ssyncset.done $0x0  }
0x104: {  	[sflag:s13] =	ssyncadd.s32 $0xFFFFFF80  }
0x105: {  	_ =	swait.ge [sflag:s13], $0x80  }
0x106: {  	[sflag:s13] =	ssyncset.done $0x0  }
0x107: {  	[sflag:s13] =	ssyncadd.s32 $0xFFFFFF80  }
0x108: {  	_ =	swait.ge [sflag:s13], $0x80  }
0x109: {  	[sflag:s13] =	ssyncset.done $0x0  }
0x10a: {  	[sflag:s13] =	ssyncadd.s32 $0xFFFFFF80  }
0x10b: {  	_ =	swait.ge [sflag:s13], $0x80  }
0x10c: {  	[sflag:s13] =	ssyncset.done $0x0  }
0x10d: {  	[sflag:s13] =	ssyncadd.s32 $0xFFFFFF80  }
0x10e: {  	_ =	swait.ge [sflag:s13], $0x80  }
0x10f: {  	[sflag:s13] =	ssyncset.done $0x0  }
0x110: {  	[sflag:s13] =	ssyncadd.s32 $0xFFFFFF80  }
0x111: {  	_ =	swait.ge [sflag:s13], $0x80  }
0x112: {  	[sflag:s13] =	ssyncset.done $0x0  }
0x113: {  	[sflag:s13] =	ssyncadd.s32 $0xFFFFFF80  }
0x114: {  	_ =	swait.ge [sflag:s13], $0x80  }
0x115: {  	[sflag:s13] =	ssyncset.done $0x0  }
0x116: {  	[sflag:s13] =	ssyncadd.s32 $0xFFFFFF80  }
0x117: {  	_ =	swait.ge [sflag:s13], $0x80  }
0x118: {  	[sflag:s13] =	ssyncset.done $0x0  }
0x119: {  	[sflag:s13] =	ssyncadd.s32 $0xFFFFFF80  }
0x11a: {  	s16 =	simm.s32 $0x100;
	_ =	swait.ge [sflag:s13], $0x80  }
.LBB2_2:
0x11b: {  	s7 =	rddreg [dreg:$0x9];
	s15 =	smov.u32 s16;
	[sflag:s13] =	ssyncset.done $0x0  }
0x11c: {  	s7 =	sadd.s32 s15, s7;
	[sflag:s13] =	ssyncadd.s32 $0xFFFFFF80  }
0x11d: {  	[tilespmem:s5], [sflag:$0x4] =	stream.linear.gather [hbm4b:s7+s5], $0x800, $0x38;
	[tilespmem:$0x1CF80] =	vst v63  }
0x11e: {  	_ =	swait.ge [sflag:s14], $0x800  }
0x11f: {  	s7 =	rddreg [dreg:$0x8];
	[sflag:s14] =	ssyncset.done $0x0  }
0x120: {  	[sflag:s14] =	ssyncadd.s32 $0xFFFFF800;
	s7 =	sadd.s32 s15, s7  }
0x121: {  	[tilespmem:s17], [sflag:$0x4] =	stream.linear.gather [hbm4b:s7+s5], $0x800, $0x38;
	[tilespmem:$0x1CF80] =	vst v63  }
0x122: {  	_ =	swait.ge [sflag:s14], $0x800  }
0x123: {  	[sflag:s14] =	ssyncset.done $0x0  }
0x124: {  	[sflag:s14] =	ssyncadd.s32 $0xFFFFF800  }
0x125: {  	[tilespmem:s19], [sflag:$0x1] =	stream.indirect.gather [hbm4b:s0+s18], $0x80, s5, s18, $0xb8;
	[tilespmem:$0x1CF80] =	vst v63  }
0x126: {  	_ = 	snop  }
0x127: {  	[tilespmem:s20], [sflag:$0x2] =	stream.indirect.gather [hbm4b:s0+s18], $0x80, s18, s18, $0xb8;
	[tilespmem:$0x1CF80] =	vst v63  }
0x128: {  	_ =	swait.ge [sflag:s21], $0x4000  }
0x129: {  	[sflag:s21] =	ssyncset.done $0x0  }
0x12a: {  	[sflag:s21] =	ssyncadd.s32 $0xFFFFC000  }
0x12b: {  	[spmem:s2] =	stream.indirect.scatter.add.f32 [tilespmem:s19], [sflag:$0x4], $0x80, s17, s18, $0xb8;
	[tilespmem:$0x1CF80] =	vst v63  }
0x12c: {  	_ =	swait.ge [sflag:s14], $0x4000  }
0x12d: {  	[sflag:s14] =	ssyncset.done $0x0  }
0x12e: {  	[sflag:s14] =	ssyncadd.s32 $0xFFFFC000  }
0x12f: {  	[spmem:s4] =	stream.indirect.scatter.add.f32 [tilespmem:s22], [sflag:$0x3], $0x1, s17, s18, $0xb8;
	[tilespmem:$0x1CF80] =	vst v63  }
0x130: {  	s15 =	rddreg [dreg:$0xa]  }
0x131: {  	[tilespmem:s19], [sflag:$0x1] =	stream.indirect.gather [hbm4b:s0+s18], $0x80, s15, s18, $0xb8;
	[tilespmem:$0x1CF80] =	vst v63  }
0x132: {  	_ =	swait.ge [sflag:s23], $0x4000  }
0x133: {  	[sflag:s23] =	ssyncset.done $0x0  }
0x134: {  	[sflag:s23] =	ssyncadd.s32 $0xFFFFC000  }
0x135: {  	[spmem:s2] =	stream.indirect.scatter.add.f32 [tilespmem:s20], [sflag:$0x4], $0x80, s24, s18, $0xb8;
	[tilespmem:$0x1CF80] =	vst v63  }
0x136: {  	_ =	swait.ge [sflag:s14], $0x4000  }
0x137: {  	[sflag:s14] =	ssyncset.done $0x0  }
0x138: {  	[sflag:s14] =	ssyncadd.s32 $0xFFFFC000  }
0x139: {  	[spmem:s4] =	stream.indirect.scatter.add.f32 [tilespmem:s22], [sflag:$0x3], $0x1, s24, s18, $0xb8;
	[tilespmem:$0x1CF80] =	vst v63  }
0x13a: {  	s15 =	rddreg [dreg:$0xb]  }
0x13b: {  	[tilespmem:s20], [sflag:$0x2] =	stream.indirect.gather [hbm4b:s0+s18], $0x80, s15, s18, $0xb8;
	[tilespmem:$0x1CF80] =	vst v63  }
0x13c: {  	_ =	swait.ge [sflag:s21], $0x4000  }
0x13d: {  	[sflag:s21] =	ssyncset.done $0x0  }
0x13e: {  	[sflag:s21] =	ssyncadd.s32 $0xFFFFC000  }
0x13f: {  	[spmem:s2] =	stream.indirect.scatter.add.f32 [tilespmem:s19], [sflag:$0x4], $0x80, s25, s18, $0xb8;
	[tilespmem:$0x1CF80] =	vst v63  }
0x140: {  	_ =	swait.ge [sflag:s14], $0x4000  }
0x141: {  	[sflag:s14] =	ssyncset.done $0x0  }
0x142: {  	[sflag:s14] =	ssyncadd.s32 $0xFFFFC000  }
0x143: {  	[spmem:s4] =	stream.indirect.scatter.add.f32 [tilespmem:s22], [sflag:$0x3], $0x1, s25, s18, $0xb8;
	[tilespmem:$0x1CF80] =	vst v63  }
0x144: {  	s15 =	rddreg [dreg:$0xc]  }
0x145: {  	[tilespmem:s19], [sflag:$0x1] =	stream.indirect.gather [hbm4b:s0+s18], $0x80, s15, s18, $0xb8;
	[tilespmem:$0x1CF80] =	vst v63  }
0x146: {  	_ =	swait.ge [sflag:s23], $0x4000  }
0x147: {  	[sflag:s23] =	ssyncset.done $0x0  }
0x148: {  	[sflag:s23] =	ssyncadd.s32 $0xFFFFC000  }
0x149: {  	[spmem:s2] =	stream.indirect.scatter.add.f32 [tilespmem:s20], [sflag:$0x4], $0x80, s26, s18, $0xb8;
	[tilespmem:$0x1CF80] =	vst v63  }
0x14a: {  	_ =	swait.ge [sflag:s14], $0x4000  }
0x14b: {  	[sflag:s14] =	ssyncset.done $0x0  }
0x14c: {  	[sflag:s14] =	ssyncadd.s32 $0xFFFFC000  }
0x14d: {  	[spmem:s4] =	stream.indirect.scatter.add.f32 [tilespmem:s22], [sflag:$0x3], $0x1, s26, s18, $0xb8;
	[tilespmem:$0x1CF80] =	vst v63  }
0x14e: {  	s15 =	rddreg [dreg:$0xd]  }
0x14f: {  	[tilespmem:s20], [sflag:$0x2] =	stream.indirect.gather [hbm4b:s0+s18], $0x80, s15, s18, $0xb8;
	[tilespmem:$0x1CF80] =	vst v63  }
0x150: {  	_ =	swait.ge [sflag:s21], $0x4000  }
0x151: {  	[sflag:s21] =	ssyncset.done $0x0  }
0x152: {  	[sflag:s21] =	ssyncadd.s32 $0xFFFFC000  }
0x153: {  	[spmem:s2] =	stream.indirect.scatter.add.f32 [tilespmem:s19], [sflag:$0x4], $0x80, s28, s18, $0xb8;
	[tilespmem:$0x1CF80] =	vst v63  }
0x154: {  	_ =	swait.ge [sflag:s14], $0x4000  }
0x155: {  	[sflag:s14] =	ssyncset.done $0x0  }
0x156: {  	[sflag:s14] =	ssyncadd.s32 $0xFFFFC000  }
0x157: {  	[spmem:s4] =	stream.indirect.scatter.add.f32 [tilespmem:s22], [sflag:$0x3], $0x1, s28, s18, $0xb8;
	[tilespmem:$0x1CF80] =	vst v63  }
0x158: {  	s15 =	rddreg [dreg:$0xe]  }
0x159: {  	[tilespmem:s19], [sflag:$0x1] =	stream.indirect.gather [hbm4b:s0+s18], $0x80, s15, s18, $0xb8;
	[tilespmem:$0x1CF80] =	vst v63  }
0x15a: {  	_ =	swait.ge [sflag:s23], $0x4000  }
0x15b: {  	[sflag:s23] =	ssyncset.done $0x0  }
0x15c: {  	[sflag:s23] =	ssyncadd.s32 $0xFFFFC000  }
0x15d: {  	[spmem:s2] =	stream.indirect.scatter.add.f32 [tilespmem:s20], [sflag:$0x4], $0x80, s29, s18, $0xb8;
	[tilespmem:$0x1CF80] =	vst v63  }
0x15e: {  	_ =	swait.ge [sflag:s14], $0x4000  }
0x15f: {  	[sflag:s14] =	ssyncset.done $0x0  }
0x160: {  	[sflag:s14] =	ssyncadd.s32 $0xFFFFC000  }
0x161: {  	[spmem:s4] =	stream.indirect.scatter.add.f32 [tilespmem:s22], [sflag:$0x3], $0x1, s29, s18, $0xb8;
	[tilespmem:$0x1CF80] =	vst v63  }
0x162: {  	s15 =	rddreg [dreg:$0xf]  }
0x163: {  	[tilespmem:s20], [sflag:$0x2] =	stream.indirect.gather [hbm4b:s0+s18], $0x80, s15, s18, $0xb8;
	[tilespmem:$0x1CF80] =	vst v63  }
0x164: {  	_ =	swait.ge [sflag:s21], $0x4000  }
0x165: {  	[sflag:s21] =	ssyncset.done $0x0  }
0x166: {  	[sflag:s21] =	ssyncadd.s32 $0xFFFFC000  }
0x167: {  	[spmem:s2] =	stream.indirect.scatter.add.f32 [tilespmem:s19], [sflag:$0x4], $0x80, s30, s18, $0xb8;
	[tilespmem:$0x1CF80] =	vst v63  }
0x168: {  	_ =	swait.ge [sflag:s14], $0x4000  }
0x169: {  	[sflag:s14] =	ssyncset.done $0x0  }
0x16a: {  	[sflag:s14] =	ssyncadd.s32 $0xFFFFC000  }
0x16b: {  	[spmem:s4] =	stream.indirect.scatter.add.f32 [tilespmem:s22], [sflag:$0x3], $0x1, s30, s18, $0xb8;
	[tilespmem:$0x1CF80] =	vst v63  }
0x16c: {  	s15 =	rddreg [dreg:$0x10]  }
0x16d: {  	[tilespmem:s19], [sflag:$0x1] =	stream.indirect.gather [hbm4b:s0+s18], $0x80, s15, s18, $0xb8;
	[tilespmem:$0x1CF80] =	vst v63  }
0x16e: {  	_ =	swait.ge [sflag:s23], $0x4000  }
0x16f: {  	[sflag:s23] =	ssyncset.done $0x0  }
0x170: {  	[sflag:s23] =	ssyncadd.s32 $0xFFFFC000  }
0x171: {  	[spmem:s2] =	stream.indirect.scatter.add.f32 [tilespmem:s20], [sflag:$0x4], $0x80, s31, s18, $0xb8;
	[tilespmem:$0x1CF80] =	vst v63  }
0x172: {  	_ =	swait.ge [sflag:s14], $0x4000  }
0x173: {  	[sflag:s14] =	ssyncset.done $0x0  }
0x174: {  	[sflag:s14] =	ssyncadd.s32 $0xFFFFC000  }
0x175: {  	[spmem:s4] =	stream.indirect.scatter.add.f32 [tilespmem:s22], [sflag:$0x3], $0x1, s31, s18, $0xb8;
	[tilespmem:$0x1CF80] =	vst v63  }
0x176: {  	s15 =	rddreg [dreg:$0x11]  }
0x177: {  	[tilespmem:s20], [sflag:$0x2] =	stream.indirect.gather [hbm4b:s0+s18], $0x80, s15, s18, $0xb8;
	[tilespmem:$0x1CF80] =	vst v63  }
0x178: {  	_ =	swait.ge [sflag:s21], $0x4000  }
0x179: {  	[sflag:s21] =	ssyncset.done $0x0  }
0x17a: {  	[sflag:s21] =	ssyncadd.s32 $0xFFFFC000  }
0x17b: {  	[spmem:s2] =	stream.indirect.scatter.add.f32 [tilespmem:s19], [sflag:$0x4], $0x80, s3, s18, $0xb8;
	[tilespmem:$0x1CF80] =	vst v63  }
0x17c: {  	_ =	swait.ge [sflag:s14], $0x4000  }
0x17d: {  	[sflag:s14] =	ssyncset.done $0x0  }
0x17e: {  	[sflag:s14] =	ssyncadd.s32 $0xFFFFC000  }
0x17f: {  	[spmem:s4] =	stream.indirect.scatter.add.f32 [tilespmem:s22], [sflag:$0x3], $0x1, s3, s18, $0xb8;
	[tilespmem:$0x1CF80] =	vst v63  }
0x180: {  	s15 =	rddreg [dreg:$0x12]  }
0x181: {  	[tilespmem:s19], [sflag:$0x1] =	stream.indirect.gather [hbm4b:s0+s18], $0x80, s15, s18, $0xb8;
	[tilespmem:$0x1CF80] =	vst v63  }
0x182: {  	_ =	swait.ge [sflag:s23], $0x4000  }
0x183: {  	[sflag:s23] =	ssyncset.done $0x0  }
0x184: {  	[sflag:s23] =	ssyncadd.s32 $0xFFFFC000  }
0x185: {  	[spmem:s2] =	stream.indirect.scatter.add.f32 [tilespmem:s20], [sflag:$0x4], $0x80, s1, s18, $0xb8;
	[tilespmem:$0x1CF80] =	vst v63  }
0x186: {  	_ =	swait.ge [sflag:s14], $0x4000  }
0x187: {  	[sflag:s14] =	ssyncset.done $0x0  }
0x188: {  	[sflag:s14] =	ssyncadd.s32 $0xFFFFC000  }
0x189: {  	[spmem:s4] =	stream.indirect.scatter.add.f32 [tilespmem:s22], [sflag:$0x3], $0x1, s1, s18, $0xb8;
	[tilespmem:$0x1CF80] =	vst v63  }
0x18a: {  	s15 =	rddreg [dreg:$0x13]  }
0x18b: {  	[tilespmem:s20], [sflag:$0x2] =	stream.indirect.gather [hbm4b:s0+s18], $0x80, s15, s18, $0xb8;
	[tilespmem:$0x1CF80] =	vst v63  }
0x18c: {  	_ =	swait.ge [sflag:s21], $0x4000  }
0x18d: {  	[sflag:s21] =	ssyncset.done $0x0  }
0x18e: {  	[sflag:s21] =	ssyncadd.s32 $0xFFFFC000  }
0x18f: {  	[spmem:s2] =	stream.indirect.scatter.add.f32 [tilespmem:s19], [sflag:$0x4], $0x80, s6, s18, $0xb8;
	[tilespmem:$0x1CF80] =	vst v63  }
0x190: {  	_ =	swait.ge [sflag:s14], $0x4000  }
0x191: {  	[sflag:s14] =	ssyncset.done $0x0  }
0x192: {  	[sflag:s14] =	ssyncadd.s32 $0xFFFFC000  }
0x193: {  	[spmem:s4] =	stream.indirect.scatter.add.f32 [tilespmem:s22], [sflag:$0x3], $0x1, s6, s18, $0xb8;
	[tilespmem:$0x1CF80] =	vst v63  }
0x194: {  	s15 =	rddreg [dreg:$0x14]  }
0x195: {  	[tilespmem:s19], [sflag:$0x1] =	stream.indirect.gather [hbm4b:s0+s18], $0x80, s15, s18, $0xb8;
	[tilespmem:$0x1CF80] =	vst v63  }
0x196: {  	_ =	swait.ge [sflag:s23], $0x4000  }
0x197: {  	[sflag:s23] =	ssyncset.done $0x0  }
0x198: {  	[sflag:s23] =	ssyncadd.s32 $0xFFFFC000  }
0x199: {  	[spmem:s2] =	stream.indirect.scatter.add.f32 [tilespmem:s20], [sflag:$0x4], $0x80, s8, s18, $0xb8;
	[tilespmem:$0x1CF80] =	vst v63  }
0x19a: {  	_ =	swait.ge [sflag:s14], $0x4000  }
0x19b: {  	[sflag:s14] =	ssyncset.done $0x0  }
0x19c: {  	[sflag:s14] =	ssyncadd.s32 $0xFFFFC000  }
0x19d: {  	[spmem:s4] =	stream.indirect.scatter.add.f32 [tilespmem:s22], [sflag:$0x3], $0x1, s8, s18, $0xb8;
	[tilespmem:$0x1CF80] =	vst v63  }
0x19e: {  	s15 =	rddreg [dreg:$0x15]  }
0x19f: {  	[tilespmem:s20], [sflag:$0x2] =	stream.indirect.gather [hbm4b:s0+s18], $0x80, s15, s18, $0xb8;
	[tilespmem:$0x1CF80] =	vst v63  }
0x1a0: {  	_ =	swait.ge [sflag:s21], $0x4000  }
0x1a1: {  	[sflag:s21] =	ssyncset.done $0x0  }
0x1a2: {  	[sflag:s21] =	ssyncadd.s32 $0xFFFFC000  }
0x1a3: {  	[spmem:s2] =	stream.indirect.scatter.add.f32 [tilespmem:s19], [sflag:$0x4], $0x80, s9, s18, $0xb8;
	[tilespmem:$0x1CF80] =	vst v63  }
0x1a4: {  	_ =	swait.ge [sflag:s14], $0x4000  }
0x1a5: {  	[sflag:s14] =	ssyncset.done $0x0  }
0x1a6: {  	[sflag:s14] =	ssyncadd.s32 $0xFFFFC000  }
0x1a7: {  	[spmem:s4] =	stream.indirect.scatter.add.f32 [tilespmem:s22], [sflag:$0x3], $0x1, s9, s18, $0xb8;
	[tilespmem:$0x1CF80] =	vst v63  }
0x1a8: {  	s15 =	rddreg [dreg:$0x16]  }
0x1a9: {  	[tilespmem:s19], [sflag:$0x1] =	stream.indirect.gather [hbm4b:s0+s18], $0x80, s15, s18, $0xb8;
	[tilespmem:$0x1CF80] =	vst v63  }
0x1aa: {  	_ =	swait.ge [sflag:s23], $0x4000  }
0x1ab: {  	[sflag:s23] =	ssyncset.done $0x0  }
0x1ac: {  	[sflag:s23] =	ssyncadd.s32 $0xFFFFC000  }
0x1ad: {  	[spmem:s2] =	stream.indirect.scatter.add.f32 [tilespmem:s20], [sflag:$0x4], $0x80, s10, s18, $0xb8;
	[tilespmem:$0x1CF80] =	vst v63  }
0x1ae: {  	_ =	swait.ge [sflag:s14], $0x4000  }
0x1af: {  	[sflag:s14] =	ssyncset.done $0x0  }
0x1b0: {  	[sflag:s14] =	ssyncadd.s32 $0xFFFFC000  }
0x1b1: {  	[spmem:s4] =	stream.indirect.scatter.add.f32 [tilespmem:s22], [sflag:$0x3], $0x1, s10, s18, $0xb8;
	[tilespmem:$0x1CF80] =	vst v63  }
0x1b2: {  	s15 =	rddreg [dreg:$0x17]  }
0x1b3: {  	[tilespmem:s20], [sflag:$0x2] =	stream.indirect.gather [hbm4b:s0+s18], $0x80, s15, s18, $0xb8;
	[tilespmem:$0x1CF80] =	vst v63  }
0x1b4: {  	_ =	swait.ge [sflag:s21], $0x4000  }
0x1b5: {  	[sflag:s21] =	ssyncset.done $0x0  }
0x1b6: {  	[sflag:s21] =	ssyncadd.s32 $0xFFFFC000  }
0x1b7: {  	[spmem:s2] =	stream.indirect.scatter.add.f32 [tilespmem:s19], [sflag:$0x4], $0x80, s11, s18, $0xb8;
	[tilespmem:$0x1CF80] =	vst v63  }
0x1b8: {  	_ =	swait.ge [sflag:s14], $0x4000  }
0x1b9: {  	[sflag:s14] =	ssyncset.done $0x0  }
0x1ba: {  	[sflag:s14] =	ssyncadd.s32 $0xFFFFC000  }
0x1bb: {  	[spmem:s4] =	stream.indirect.scatter.add.f32 [tilespmem:s22], [sflag:$0x3], $0x1, s11, s18, $0xb8;
	[tilespmem:$0x1CF80] =	vst v63  }
0x1bc: {  	_ =	swait.ge [sflag:s23], $0x4000  }
0x1bd: {  	[sflag:s23] =	ssyncset.done $0x0  }
0x1be: {  	[sflag:s23] =	ssyncadd.s32 $0xFFFFC000  }
0x1bf: {  	[spmem:s2] =	stream.indirect.scatter.add.f32 [tilespmem:s20], [sflag:$0x4], $0x80, s12, s18, $0xb8;
	[tilespmem:$0x1CF80] =	vst v63  }
0x1c0: {  	_ =	swait.ge [sflag:s14], $0x4000  }
0x1c1: {  	[sflag:s14] =	ssyncset.done $0x0  }
0x1c2: {  	[sflag:s14] =	ssyncadd.s32 $0xFFFFC000  }
0x1c3: {  	[spmem:s4] =	stream.indirect.scatter.add.f32 [tilespmem:s22], [sflag:$0x3], $0x1, s12, s18, $0xb8;
	[tilespmem:$0x1CF80] =	vst v63  }
0x1c4: {  	_ =	swait.ge [sflag:s13], $0x80  }
0x1c5: {  	[sflag:s13] =	ssyncset.done $0x0  }
0x1c6: {  	[sflag:s13] =	ssyncadd.s32 $0xFFFFFF80  }
0x1c7: {  	_ =	swait.ge [sflag:s13], $0x80  }
0x1c8: {  	[sflag:s13] =	ssyncset.done $0x0  }
0x1c9: {  	[sflag:s13] =	ssyncadd.s32 $0xFFFFFF80  }
0x1ca: {  	_ =	swait.ge [sflag:s13], $0x80  }
0x1cb: {  	[sflag:s13] =	ssyncset.done $0x0  }
0x1cc: {  	[sflag:s13] =	ssyncadd.s32 $0xFFFFFF80  }
0x1cd: {  	_ =	swait.ge [sflag:s13], $0x80  }
0x1ce: {  	[sflag:s13] =	ssyncset.done $0x0  }
0x1cf: {  	[sflag:s13] =	ssyncadd.s32 $0xFFFFFF80  }
0x1d0: {  	_ =	swait.ge [sflag:s13], $0x80  }
0x1d1: {  	[sflag:s13] =	ssyncset.done $0x0  }
0x1d2: {  	[sflag:s13] =	ssyncadd.s32 $0xFFFFFF80  }
0x1d3: {  	_ =	swait.ge [sflag:s13], $0x80  }
0x1d4: {  	[sflag:s13] =	ssyncset.done $0x0  }
0x1d5: {  	[sflag:s13] =	ssyncadd.s32 $0xFFFFFF80  }
0x1d6: {  	_ =	swait.ge [sflag:s13], $0x80  }
0x1d7: {  	[sflag:s13] =	ssyncset.done $0x0  }
0x1d8: {  	[sflag:s13] =	ssyncadd.s32 $0xFFFFFF80  }
0x1d9: {  	_ =	swait.ge [sflag:s13], $0x80  }
0x1da: {  	[sflag:s13] =	ssyncset.done $0x0  }
0x1db: {  	[sflag:s13] =	ssyncadd.s32 $0xFFFFFF80  }
0x1dc: {  	_ =	swait.ge [sflag:s13], $0x80  }
0x1dd: {  	[sflag:s13] =	ssyncset.done $0x0  }
0x1de: {  	[sflag:s13] =	ssyncadd.s32 $0xFFFFFF80  }
0x1df: {  	_ =	swait.ge [sflag:s13], $0x80  }
0x1e0: {  	[sflag:s13] =	ssyncset.done $0x0  }
0x1e1: {  	[sflag:s13] =	ssyncadd.s32 $0xFFFFFF80  }
0x1e2: {  	_ =	swait.ge [sflag:s13], $0x80  }
0x1e3: {  	[sflag:s13] =	ssyncset.done $0x0  }
0x1e4: {  	[sflag:s13] =	ssyncadd.s32 $0xFFFFFF80  }
0x1e5: {  	_ =	swait.ge [sflag:s13], $0x80  }
0x1e6: {  	[sflag:s13] =	ssyncset.done $0x0  }
0x1e7: {  	[sflag:s13] =	ssyncadd.s32 $0xFFFFFF80  }
0x1e8: {  	_ =	swait.ge [sflag:s13], $0x80  }
0x1e9: {  	[sflag:s13] =	ssyncset.done $0x0  }
0x1ea: {  	[sflag:s13] =	ssyncadd.s32 $0xFFFFFF80  }
0x1eb: {  	_ =	swait.ge [sflag:s13], $0x80  }
0x1ec: {  	p1 =	sne.s32 s16, $0x400;
	[sflag:s13] =	ssyncset.done $0x0  }
.Ltmp0:
0x1ed: {  	[sflag:s13] =	ssyncadd.s32 $0xFFFFFF80;
	(pc) =	sbr.rel @p1 .LBB2_2-.Ltmp0, $4  }
0x1ee: {  	_ =	swait.ge [sflag:s13], $0x80  }
0x1ef: {  	[sflag:s13] =	ssyncset.done $0x0  }
0x1f0: {  	[sflag:s13] =	ssyncadd.s32 $0xFFFFFF80  }
0x1f1: {  	s16 =	sadd.s32 $0x100, s16;
	_ =	swait.ge [sflag:s13], $0x80  }
0x1f2: {  	[sflag:s13] =	ssyncset.done $0x0  }
0x1f3: {  	[sflag:s13] =	ssyncadd.s32 $0xFFFFFF80  }
0x1f4: {  	[bflag:$0x0] =	sbarrier.arrive $0xFFFF  }
0x1f5: {  	s7 =	rddreg [dreg:$0x19]  }
0x1f6: {  	s15 =	rddreg [dreg:$0x1b]  }
0x1f7: {  	s16 =	rddreg [dreg:$0x1f]  }
0x1f8: {  	[hbm:s15], [sflag:s7] =	dma.local [spmem:s16], $0x2700  }
0x1f9: {  	_ =	swait.ge [sflag:s14], $0x2700  }
0x1fa: {  	s16 =	sld [smem:$0x7FB]  }
0x1fb: {  	[sflag:s14] =	ssyncset.done $0x0  }
0x1fc: {  	s15 =	rddreg [dreg:$0x1c];
	[sflag:s14] =	ssyncadd.s32 $0xFFFFD900  }
0x1fd: {  	[hbm:s15], [sflag:s7] =	dma.local @!p0 [spmem:s16], $0x100  }
0x1fe: {  	s15 =	simm.s32 @!p0 $0x4  }
0x1ff: {  	_ =	swait.ge @!p0 [sflag:s15], $0x100  }
0x200: {  	s25 =	simm.s32 @!p0 $0x20;
	s26 =	sld [smem:$0x7FC]  }
0x201: {  	s7 =	simm.s32 @!p0 $0x1;
	[sflag:s15] =	ssyncset.done @!p0 $0x0;
	s16 =	rddreg [dreg:$0x1d]  }
0x202: {  	s24 =	rddreg [dreg:$0x19];
	[sflag:s15] =	ssyncadd.s32 @!p0 $0xFFFFFF00;
	s15 =	simm.s32 @!p0 $0x10  }
0x203: {  	[hbm:s16@s25], [sflag:s24] =	dma.strided @!p0 [spmem:s26@s15], $0x500, s7, $0x10   }
0x204: {  	s7 =	simm.s32 @!p0 $0x4  }
0x205: {  	s15 =	rddreg [dreg:$0x19];
	_ =	swait.ge @!p0 [sflag:s7], $0x500  }
0x206: {  	s16 =	sld [smem:$0x7FD];
	_ =	sdelay $0x2  }
0x207: {  	[sflag:s7] =	ssyncset.done @!p0 $0x0;
	s7 =	rddreg [dreg:$0x1e];
	s16 =	sadd.s32 $0x1, s16  }
0x208: {  	p1 =	sne.s32 s16, s7  }
.Ltmp1:
0x209: {  	_ = 	snop;
	(pc) =	sbr.rel @p1 .LBB2_1-.Ltmp1, $3  }
0x20a: {  	_ =	sdelay $0x1  }
0x20b: {  	s26 =	simm.s32 $0x980;
	s25 =	simm.s32 $0x900;
	s7 =	simm.s32 @!p0 $0x4  }
0x20c: {  	s24 =	simm.s32 $0x880;
	[smem:$0x7FD] =	sst s16;
	[sflag:s7] =	ssyncadd.s32 @!p0 $0xFFFFFB00  }
0x20d: {  	_ =	sfence.sel $0x180000  }
0x20e: {  	[bflag:$0x0] =	sbarrier.arrive $0xFFFF  }
0x20f: {  	_ =	strace $0x90000047  }
0x210: {  	[bflag:$0x2] =	sbarrier.arrive $0xFFFF  }
0x211: {  	s0 =	rddreg [dreg:$0x7]  }
0x212: {  	s0 =	sadd.s32 @!p0 $0x100000, s0  }
0x213: {  	[sflag:s0] =	ssyncadd.tile.s32 @!p0 $0x1;
	_ =	shalt  }
.Lfunc_end2:
_tile_overlayer_lowered:
.L_overlay_start_2:
0x214: {  	(tag) =	ssettag $0x2  }
0x215: {  	s0 =	rddreg [dreg:$0x0];
	s2 =	stileid.u32  }
0x216: {  	s1 =	rddreg [dreg:$0x1];
	p0 =	sne.s32 s2, $0x0  }
0x217: {  	s3 =	rddreg [dreg:$0x2];
	[bflag:$0x3] =	sbarrier.arrive $0xFFFF;
	s2 =	simm.s32 @!p0 $0x1C04  }
0x218: {  	[timem:s3], [sflag:s2] =	dma.local @!p0 [hbm:s0], s1  }
0x219: {  	s0 =	simm.s32 @!p0 $0x4  }
0x21a: {  	_ =	swait.ge @!p0 [sflag:s0], s1  }
0x21b: {  	s1 =	ssub.s32 @!p0 $0x0, s1;
	[sflag:s0] =	ssyncset.done @!p0 $0x0  }
0x21c: {  	[sflag:s0] =	ssyncadd.s32 @!p0 s1  }
0x21d: {  	[bflag:$0x3] =	sbarrier.arrive $0xFFFF  }
0x21e: {  	_ =	shalt  }

// kernel: kernel.9.cloned.1.call-start
scs
__scs_entry_jumppad:
0x0: {  	(pc) =	sbr.rel $0x88, $3  }
0x1: {  	(tag) =	ssettag $0x0;
	lr =	simm.s32 $0x1  }
0x2: {  	[smem:$0x3F97] =	sst lr;
	_ =	strace $0xD0000000  }
0x3: {  	_ = 	snop  }
0x4: {  	_ = 	snop  }
0x5: {  	_ = 	snop  }
0x6: {  	_ = 	snop  }
0x7: {  	_ = 	snop  }
__scs_overlays_trampoline_lowered:
0x8: {  	[smem:$0x3FA6] =	sst s0  }
0x9: {  	[smem:$0x3FA7] =	sst s1  }
0xa: {  	[smem:$0x3FA8] =	sst s2  }
0xb: {  	[smem:$0x3FA9] =	sst s3  }
0xc: {  	[smem:$0x3FAA] =	sst s4  }
0xd: {  	[smem:$0x3FAB] =	sst s5  }
0xe: {  	[smem:$0x3FAC] =	sst s6  }
0xf: {  	[smem:$0x3FAD] =	sst s7  }
0x10: {  	[smem:$0x3FAE] =	sst s8  }
0x11: {  	[smem:$0x3FAF] =	sst s9;
	s0 =	simm.s32 @!p0 $0x0  }
0x12: {  	s1 =	sld [smem:$0x3F95];
	s0 =	simm.s32 @p0 $0x1  }
0x13: {  	[smem:$0x3FB0] =	sst s0;
	s0 =	simm.s32 @!p1 $0x0  }
0x14: {  	s2 =	sld [smem:$0x3F94];
	s0 =	simm.s32 @p1 $0x1  }
0x15: {  	[smem:$0x3FB1] =	sst s0;
	s0 =	simm.s32 @!p2 $0x0  }
0x16: {  	s3 =	sld [smem:$0x3FDB];
	s0 =	simm.s32 @p2 $0x1  }
0x17: {  	s4 =	simm.s32 $0x1BF5;
	[smem:$0x3FB3] =	sst s0  }
0x18: {  	s0 =	sld [smem:$0x3F96];
	_ =	swait.ge [sflag:s4], $0x0  }
0x19: {  	s7 =	sld [smem:$0x3F97]  }
0x1a: {  	s8 =	sadd.s32 $0xFFFFE003, lr  }
0x1b: {  	s9 =	sadd.s32 $0xFFFFFEF7, lr;
	s5 =	simm.s32 $0xFFFFFFFF;
	p2 =	slt.u32 s8, $0xFFFFF086  }
0x1c: {  	p1 =	slt.u32 s9, $0xF7A;
	s5 =	simm.s32 @!p2 $0x0  }
0x1d: {  	s5 =	simm.s32 @p1 $0x1;
	p0 =	seq.s32 s7, s2  }
0x1e: {  	s7 =	smul.u32 @!p0 $0xF7A, s2;
	p2 =	seq.s32 @!p0 s5, $0x0  }
0x1f: {  	s9 =	smul.u32 $0xF7A, s1;
	s8 =	simm.s32 @!p0 $0x1BF5;
	p2 =	por !p2, p0  }
0x20: {  	[sflag:s8] =	ssyncset.s32 @!p0 $0xFFFFF086;
	s6 =	sadd.s32 @!p0 s3, s7;
	s7 =	simm.s32 @!p0 $0x108  }
0x21: {  	s3 =	sadd.s32 s3, s9;
	s6 =	sadd.s32 @!p0 $0x88, s6;
	s7 =	simm.s32 @p2 $0x1082  }
0x22: {  	[simem:s7], [sflag:s8] =	dma.local @!p0 [hbm:s6], $0xF7A  }
0x23: {  	s9 =	sor.u32 $0xD0000000, s2;
	s6 =	simm.s32 $0x108;
	_ =	swait.ge @!p0 [sflag:s8], $0x0  }
0x24: {  	s3 =	sadd.s32 $0x88, s3;
	s6 =	simm.s32 @!p1 $0x1082;
	[sflag:s4] =	ssyncset.s32 $0xFFFFF086  }
0x25: {  	[simem:s6], [sflag:s4] =	dma.local [hbm:s3], $0xF7A  }
0x26: {  	[smem:$0x3F97] =	sst s1;
	(tag) =	ssettag s2;
	_ =	strace s9  }
0x27: {  	s1 =	sld [smem:$0x3FA7]  }
0x28: {  	s2 =	sld [smem:$0x3FA8]  }
0x29: {  	s4 =	sld [smem:$0x3FAA]  }
0x2a: {  	p0 =	seq.s32 s5, $0x0;
	s5 =	sld [smem:$0x3FAB]  }
0x2b: {  	s6 =	sld [smem:$0x3FAC]  }
0x2c: {  	s7 =	sld [smem:$0x3FAD]  }
0x2d: {  	s3 =	simm.s32 $0x108;
	s8 =	sld [smem:$0x3FAE]  }
0x2e: {  	s3 =	simm.s32 @!p0 $0x1082;
	s9 =	sld [smem:$0x3FAF]  }
0x2f: {  	lr =	sadd.s32 s0, s3;
	s0 =	sld [smem:$0x3FA6]  }
0x30: {  	s3 =	sld [smem:$0x3FA9]  }
0x31: {  	[smem:$0x3FB2] =	sst s10  }
0x32: {  	s10 =	sld [smem:$0x3FB0];
	_ =	sdelay $0x3  }
0x33: {  	p0 =	seq.s32 s10, $0x1;
	s10 =	sld [smem:$0x3FB2];
	_ =	sdelay $0x3  }
0x34: {  	[smem:$0x3FB2] =	sst s10  }
0x35: {  	s10 =	sld [smem:$0x3FB1];
	_ =	sdelay $0x3  }
0x36: {  	p1 =	seq.s32 s10, $0x1;
	s10 =	sld [smem:$0x3FB2];
	_ =	sdelay $0x3  }
0x37: {  	[smem:$0x3FB2] =	sst s10  }
0x38: {  	s10 =	sld [smem:$0x3FB3]  }
0x39: {  	_ = 	snop;
	(pc) =	sbr.ind lr, $3  }
0x3a: {  	_ = 	snop  }
0x3b: {  	_ = 	snop  }
0x3c: {  	p2 =	seq.s32 s10, $0x1;
	s10 =	sld [smem:$0x3FB2]  }
0x3d: {  	_ =	shalt  }
0x3e: {  	_ =	shalt  }
0x3f: {  	_ =	shalt  }
0x40: {  	_ =	shalt  }
0x41: {  	_ =	shalt  }
0x42: {  	_ =	shalt  }
0x43: {  	_ =	shalt  }
0x44: {  	_ =	shalt  }
0x45: {  	_ =	shalt  }
0x46: {  	_ =	shalt  }
0x47: {  	_ =	shalt  }
0x48: {  	_ =	shalt  }
0x49: {  	_ =	shalt  }
0x4a: {  	_ =	shalt  }
0x4b: {  	_ =	shalt  }
0x4c: {  	_ =	shalt  }
0x4d: {  	_ =	shalt  }
0x4e: {  	_ =	shalt  }
0x4f: {  	_ =	shalt  }
0x50: {  	_ =	shalt  }
0x51: {  	_ =	shalt  }
0x52: {  	_ =	shalt  }
0x53: {  	_ =	shalt  }
0x54: {  	_ =	shalt  }
0x55: {  	_ =	shalt  }
0x56: {  	_ =	shalt  }
0x57: {  	_ =	shalt  }
0x58: {  	_ =	shalt  }
0x59: {  	_ =	shalt  }
0x5a: {  	_ =	shalt  }
0x5b: {  	_ =	shalt  }
0x5c: {  	_ =	shalt  }
0x5d: {  	_ =	shalt  }
0x5e: {  	_ =	shalt  }
0x5f: {  	_ =	shalt  }
0x60: {  	_ =	shalt  }
0x61: {  	_ =	shalt  }
0x62: {  	_ =	shalt  }
0x63: {  	_ =	shalt  }
0x64: {  	_ =	shalt  }
0x65: {  	_ =	shalt  }
0x66: {  	_ =	shalt  }
0x67: {  	_ =	shalt  }
0x68: {  	_ =	shalt  }
0x69: {  	_ =	shalt  }
0x6a: {  	_ =	shalt  }
0x6b: {  	_ =	shalt  }
0x6c: {  	_ =	shalt  }
0x6d: {  	_ =	shalt  }
0x6e: {  	_ =	shalt  }
0x6f: {  	_ =	shalt  }
0x70: {  	_ =	shalt  }
0x71: {  	_ =	shalt  }
0x72: {  	_ =	shalt  }
0x73: {  	_ =	shalt  }
0x74: {  	_ =	shalt  }
0x75: {  	_ =	shalt  }
0x76: {  	_ =	shalt  }
0x77: {  	_ =	shalt  }
0x78: {  	_ =	shalt  }
0x79: {  	_ =	shalt  }
0x7a: {  	_ =	shalt  }
0x7b: {  	_ =	shalt  }
0x7c: {  	_ =	shalt  }
0x7d: {  	_ =	shalt  }
0x7e: {  	_ =	shalt  }
0x7f: {  	_ =	shalt  }
0x80: {  	_ =	shalt  }
0x81: {  	_ =	shalt  }
0x82: {  	_ =	shalt  }
0x83: {  	_ =	shalt  }
0x84: {  	_ =	shalt  }
0x85: {  	_ =	shalt  }
0x86: {  	_ =	shalt  }
0x87: {  	_ =	shalt  }
.Lfunc_end0:
.L_simem_size_0:
called_computation.1_lowered:
.L_overlay_start_0:
0x88: {  	s2 =	sld [smem:$0x3FD9]  }
0x89: {  	s3 =	sld [smem:$0x3FFE];
	_ =	sdelay $0x1  }
0x8a: {  	s1 =	srdreg.scid  }
0x8b: {  	s0 =	sand.u32 $0x1, s1  }
0x8c: {  	s14 =	sshll.u32 s0, $0xA;
	s2 =	sadd.s32 s3, s2  }
0x8d: {  	s2 =	sadd.s32 s2, s14  }
0x8e: {  	[smem:$0x3FBE] =	sst s2  }
0x8f: {  	_ = 	snop  }
0x90: {  	s2 =	sld [smem:$0x3FD0];
	_ =	sdelay $0x2  }
0x91: {  	s15 =	simm.s32 $0xA;
	s4 =	simm.s32 $0x10  }
0x92: {  	[smem:s4], [sflag:s15] =	dma.local [hbm:s2], $0x1  }
0x93: {  	_ =	swait.eq [sflag:s15], $0x1  }
0x94: {  	[sflag:s15] =	ssyncset.done $0x0  }
0x95: {  	[sflag:s15] =	ssyncadd.s32 $0xFFFFFFFF  }
0x96: {  	s16 =	sld [smem:$0x12];
	(tm) =	ssettm $0x1  }
0x97: {  	s17 =	sld [smem:$0x3FFB];
	_ =	sdelay $0x3  }
0x98: {  	_ =	strace s17  }
0x99: {  	s3 =	sld [smem:$0x3FFC];
	_ =	sdelay $0x3  }
0x9a: {  	_ =	strace s3  }
0x9b: {  	s3 =	sld [smem:$0x3FFD];
	_ =	sdelay $0x3  }
0x9c: {  	_ =	strace s3  }
0x9d: {  	_ =	strace $0x8FFFFFFF  }
0x9e: {  	s18 =	sld [smem:$0x3FDB];
	_ =	sdelay $0x1  }
0x9f: {  	s19 =	simm.s32 $_scs_section_size  }
0xa0: {  	s5 =	simm.s32 $_size__tile_overlayer_lowered;
	s6 =	simm.s32 $_tile_overlayer_lowered  }
0xa1: {  	s22 =	simm.s32 $0x1BFF;
	s21 =	sshll.u32 s6, $0x1;
	s3 =	sadd.s32 s19, s18  }
0xa2: {  	s7 =	simm.s32 $0x0;
	s20 =	sshll.u32 s5, $0x1;
	s5 =	sadd.s32 s21, s3  }
0xa3: {  	[timem:s7], [sflag:s22] =	dma.local [hbm:s5], s20  }
0xa4: {  	_ =	swait.ge [sflag:s22], s20  }
0xa5: {  	s4 =	ssub.s32 $0x0, s20;
	[sflag:s22] =	ssyncset.done $0x0  }
0xa6: {  	[sflag:s22] =	ssyncadd.s32 s4;
	_ =	sdelay $0x1  }
0xa7: {  	s23 =	simm.s32 $0x1B8B  }
0xa8: {  	_ =	swait.ge [sflag:s23], $0x1  }
0xa9: {  	[sflag:s23] =	ssyncset.done $0x0  }
0xaa: {  	s25 =	simm.s32 $0x1B8E;
	s24 =	sld [smem:$0x3FFE];
	[sflag:s23] =	ssyncadd.s32 $0xFFFFFFFF  }
0xab: {  	s26 =	simm.s32 $execute0_lowered;
	[smem:$0x3FD2] =	sst s25  }
0xac: {  	s5 =	sshll.u32 s26, $0x1;
	_ =	strace $0x80000049;
	[dreg:$0x1] =	wrdreg $0xFFFFFFFF  }
0xad: {  	s28 =	simm.s32 $_size_execute0_lowered;
	s3 =	sadd.s32 s3, s5;
	[dreg:$0x0] =	wrdreg $0x0  }
0xae: {  	s5 =	sshll.u32 s28, $0x1;
	[dreg:$0x2] =	wrdreg s3  }
0xaf: {  	[dreg:$0x3] =	wrdreg s5  }
0xb0: {  	[dreg:$0x4] =	wrdreg $0xC0  }
0xb1: {  	_ =	task [dreg:s7], $0x5FFFF  }
0xb2: {  	[dreg:$0x1] =	wrdreg $0xFFFFFFFF  }
0xb3: {  	[dreg:$0x0] =	wrdreg $0x60  }
0xb4: {  	[dreg:$0x2] =	wrdreg s16  }
0xb5: {  	[dreg:$0x3] =	wrdreg s24  }
0xb6: {  	[dreg:$0x4] =	wrdreg $0xA0000  }
0xb7: {  	[dreg:$0x5] =	wrdreg $0x9  }
0xb8: {  	_ =	task.clear_ibuf [dreg:s7], $0x6FFFF;
	_ =	strace $0x90000049  }
0xb9: {  	s29 =	simm.s32 $0x9;
	_ =	strace $0x8000004B  }
0xba: {  	_ =	swait.ge [sflag:s29], $0x1  }
0xbb: {  	[sflag:s29] =	ssyncadd.s32 $0xFFFFFFFF  }
0xbc: {  	_ =	strace $0x9000004B  }
0xbd: {  	_ =	sfence  }
0xbe: {  	s30 =	sld [smem:$0x0];
	_ =	sdelay $0x2  }
0xbf: {  	s31 =	sshll.u32 s1, $0xD;
	s1 =	sshrl.u32 s1, $0x2  }
0xc0: {  	s3 =	sand.u32 $0x4000, s31;
	s1 =	sadd.s32 s1, s30  }
0xc1: {  	s0 =	sor.u32 s3, s0;
	s1 =	sshll.u32 s1, $0x11  }
0xc2: {  	s0 =	sor.u32 s1, s0  }
0xc3: {  	s0 =	sadd.s32 $0x8F2B, s0  }
0xc4: {  	[sflag:s0] =	ssyncadd.remote.s32 $0x1  }
0xc5: {  	_ =	sfence.sel $0xFFFF  }
0xc6: {  	[dreg:$0x0] =	wrdreg $0xFFFFFFFF;
	(pc) =	sbr.abs _section_cstart, $3  }
0xc7: {  	[dreg:$0x1] =	wrdreg $0xFFFFFFFF  }
0xc8: {  	_ =	task.clear_ibuf [dreg:s7], $0x2FFFF;
	_ =	strace $0x9FFFFFFF  }
0xc9: {  	(tm) =	ssettm $0x7FFFFFFF  }
tec
execute0_lowered:
.L_overlay_start_1:
0x0: {  	(tag) =	ssettag $0x1  }
0x1: {  	s1 =	rddreg [dreg:$0x0]  }
0x2: {  	s8 =	rddreg [dreg:$0x1]  }
0x3: {  	s2 =	rddreg [dreg:$0x2]  }
0x4: {  	s0 =	rddreg [dreg:$0x3];
	s3 =	simm.s32 $0x0;
	s14 =	stileid.u32  }
0x5: {  	s6 =	srdreg.scid;
	s18 =	simm.s32 $0x80;
	s19 =	simm.s32 $0x2000  }
0x6: {  	s20 =	simm.s32 $0x6000;
	s21 =	simm.s32 $0x1;
	s22 =	simm.s32 $0x2  }
0x7: {  	s23 =	simm.s32 $0x1F00;
	s24 =	simm.s32 $0x1F80;
	[smem:$0x7FF] =	sst s3  }
0x8: {  	s10 =	smul.u32 $0x13800, s14;
	s4 =	sadd.s32 $0x34600, s8;
	s5 =	sadd.s32 $0x2A00, s8  }
0x9: {  	s9 =	sand.u32 $0x1, s6;
	s26 =	smul.u32 $0x4E000, s14;
	s11 =	sadd.s32 $0x48600, s8  }
0xa: {  	s30 =	sshll.u32 s14, $0x6;
	s17 =	sadd.s32 $0x138000, s2;
	p0 =	sne.s32 s14, $0x0  }
0xb: {  	_ =	strace $0x8000004A;
	s12 =	ssub.s32 $0x2, s9;
	s15 =	sshll.u32 s9, $0x4  }
0xc: {  	s16 =	smul.u32 $0x138800, s9;
	s7 =	sshrl.u32 s10, $0x3;
	s13 =	sshrl.u32 s12, $0x1  }
0xd: {  	s6 =	sshrl.u32 s26, $0x2;
	s28 =	sor.u32 s14, s15;
	s15 =	simm.s32 $0x3  }
0xe: {  	s7 =	sadd.s32 s7, s8;
	s13 =	ssub.s32 s12, s13;
	s29 =	sadd.s32 s6, s2  }
0xf: {  	s8 =	sadd.s32 $0x33A00, s8;
	s9 =	smul.u32 $0x5, s28;
	s31 =	sadd.s32 s10, s16  }
0x10: {  	s16 =	sshrl.u32 s16, $0x3;
	s10 =	smul.u32 $0x5, s14;
	s6 =	sadd.s32 $0xCA00, s7  }
0x11: {  	s7 =	sor.u32 $0x1C03, s30;
	s12 =	sshrl.u32 s31, $0x3;
	s16 =	sadd.s32 s11, s16  }
0x12: {  	s13 =	smax.u32 s13, $0x1;
	s14 =	sshrl.u32 s29, $0x3;
	s11 =	sadd.s32 s11, s12  }
0x13: {  	s12 =	sadd.s32 $0x27000, s16;
	s16 =	sshrl.u32 @!p0 s17, $0x3;
	s17 =	simm.s32 $0x1000  }
.LBB2_1:
0x14: {  	[spmem:s14], [sflag:s7] =	dma.local [hbm:s6], $0x2700  }
0x15: {  	_ =	swait.ge [sflag:s15], $0x2700  }
0x16: {  	[sflag:s15] =	ssyncset.done $0x0  }
0x17: {  	s25 =	simm.s32 @!p0 $0x3;
	[sflag:s15] =	ssyncadd.s32 $0xFFFFD900  }
0x18: {  	[spmem:s16], [sflag:s7] =	dma.local @!p0 [hbm:s8], $0x100  }
0x19: {  	_ =	swait.ge @!p0 [sflag:s25], $0x100  }
0x1a: {  	[sflag:s25] =	ssyncset.done @!p0 $0x0  }
0x1b: {  	[sflag:s25] =	ssyncadd.s32 @!p0 $0xFFFFFF00  }
0x1c: {  	s25 =	simm.s32 $0x0;
	[bflag:$0x0] =	sbarrier.arrive $0xFFFF  }
.LBB2_2:
0x1d: {  	s26 =	sadd.s32 s9, s25  }
0x1e: {  	s26 =	sshll.u32 s26, $0x9  }
0x1f: {  	s28 =	simm.s32 $0x0;
	s26 =	sadd.s32 s4, s26  }
0x20: {  	[tilespmem:s28], [sflag:$0x3] =	stream.linear.gather [hbm4b:s26+s28], $0x1000, $0x38;
	[tilespmem:$0x1DC80] =	vst v63  }
0x21: {  	s31 =	sadd.s32 s10, s25;
	_ =	swait.ge [sflag:s15], $0x1000  }
0x22: {  	s26 =	sshll.u32 s31, $0x9;
	[sflag:s15] =	ssyncset.done $0x0  }
0x23: {  	s26 =	sadd.s32 s5, s26;
	[sflag:s15] =	ssyncadd.s32 $0xFFFFF000  }
0x24: {  	[tilespmem:s17], [sflag:$0x3] =	stream.linear.gather [hbm4b:s26+s28], $0x1000, $0x38;
	[tilespmem:$0x1DC80] =	vst v63  }
0x25: {  	_ =	swait.ge [sflag:s15], $0x1000  }
0x26: {  	[sflag:s15] =	ssyncset.done $0x0  }
0x27: {  	[sflag:s15] =	ssyncadd.s32 $0xFFFFF000  }
0x28: {  	[tilespmem:s19], [sflag:$0x1] =	stream.indirect.gather [hbm4b:s1+s18], $0x80, s28, s18, $0xb8;
	[tilespmem:$0x1DC80] =	vst v63  }
0x29: {  	_ = 	snop  }
0x2a: {  	[tilespmem:s20], [sflag:$0x2] =	stream.indirect.gather [hbm4b:s1+s18], $0x80, s18, s18, $0xb8;
	[tilespmem:$0x1DC80] =	vst v63  }
0x2b: {  	_ =	swait.ge [sflag:s21], $0x4000  }
0x2c: {  	[sflag:s21] =	ssyncset.done $0x0  }
0x2d: {  	s29 =	simm.s32 $0x1000;
	[sflag:s21] =	ssyncadd.s32 $0xFFFFC000  }
0x2e: {  	[spmem:s2] =	stream.indirect.scatter.add.f32 [tilespmem:s19], [sflag:$0x3], $0x80, s29, s18, $0xb8;
	[tilespmem:$0x1DC80] =	vst v63  }
0x2f: {  	_ =	swait.ge [sflag:s15], $0x4000  }
0x30: {  	[sflag:s15] =	ssyncset.done $0x0  }
0x31: {  	s30 =	simm.s32 $0x100;
	[sflag:s15] =	ssyncadd.s32 $0xFFFFC000  }
0x32: {  	[tilespmem:s19], [sflag:$0x1] =	stream.indirect.gather [hbm4b:s1+s18], $0x80, s30, s18, $0xb8;
	[tilespmem:$0x1DC80] =	vst v63  }
0x33: {  	_ =	swait.ge [sflag:s22], $0x4000  }
0x34: {  	[sflag:s22] =	ssyncset.done $0x0  }
0x35: {  	s31 =	simm.s32 $0x1080;
	[sflag:s22] =	ssyncadd.s32 $0xFFFFC000  }
0x36: {  	[spmem:s2] =	stream.indirect.scatter.add.f32 [tilespmem:s20], [sflag:$0x3], $0x80, s31, s18, $0xb8;
	[tilespmem:$0x1DC80] =	vst v63  }
0x37: {  	_ =	swait.ge [sflag:s15], $0x4000  }
0x38: {  	[sflag:s15] =	ssyncset.done $0x0  }
0x39: {  	s26 =	simm.s32 $0x400;
	s28 =	simm.s32 $0x180;
	[sflag:s15] =	ssyncadd.s32 $0xFFFFC000  }
.LBB2_3:
0x3a: {  	[tilespmem:s20], [sflag:$0x2] =	stream.indirect.gather [hbm4b:s1+s18], $0x80, s28, s18, $0xb8;
	[tilespmem:$0x1DC80] =	vst v63  }
0x3b: {  	s28 =	smov.u32 s26  }
0x3c: {  	p1 =	sne.s32 s26, $0x3800;
	s26 =	sadd.s32 $0x400, s26;
	_ =	swait.ge [sflag:s21], $0x4000  }
0x3d: {  	s28 =	sshra.s32 s28, $0x2;
	[sflag:s21] =	ssyncset.done $0x0  }
0x3e: {  	s29 =	sadd.s32 $0x1000, s28;
	[sflag:s21] =	ssyncadd.s32 $0xFFFFC000  }
0x3f: {  	[spmem:s2] =	stream.indirect.scatter.add.f32 [tilespmem:s19], [sflag:$0x3], $0x80, s29, s18, $0xb8;
	[tilespmem:$0x1DC80] =	vst v63  }
0x40: {  	_ =	swait.ge [sflag:s15], $0x4000  }
0x41: {  	[sflag:s15] =	ssyncset.done $0x0  }
0x42: {  	s29 =	sadd.s32 $0x100, s28;
	[sflag:s15] =	ssyncadd.s32 $0xFFFFC000  }
0x43: {  	[tilespmem:s19], [sflag:$0x1] =	stream.indirect.gather [hbm4b:s1+s18], $0x80, s29, s18, $0xb8;
	[tilespmem:$0x1DC80] =	vst v63  }
0x44: {  	_ =	swait.ge [sflag:s22], $0x4000  }
0x45: {  	[sflag:s22] =	ssyncset.done $0x0  }
.Ltmp0:
0x46: {  	s29 =	sadd.s32 $0x1080, s28;
	[sflag:s22] =	ssyncadd.s32 $0xFFFFC000;
	(pc) =	sbr.rel @p1 .LBB2_3-.Ltmp0, $4  }
0x47: {  	[spmem:s2] =	stream.indirect.scatter.add.f32 [tilespmem:s20], [sflag:$0x3], $0x80, s29, s18, $0xb8;
	[tilespmem:$0x1DC80] =	vst v63  }
0x48: {  	_ =	swait.ge [sflag:s15], $0x4000  }
0x49: {  	[sflag:s15] =	ssyncset.done $0x0  }
0x4a: {  	s28 =	sadd.s32 $0x180, s28;
	[sflag:s15] =	ssyncadd.s32 $0xFFFFC000  }
0x4b: {  	[tilespmem:s20], [sflag:$0x2] =	stream.indirect.gather [hbm4b:s1+s18], $0x80, s28, s18, $0xb8;
	[tilespmem:$0x1DC80] =	vst v63  }
0x4c: {  	_ =	swait.ge [sflag:s21], $0x4000  }
0x4d: {  	[sflag:s21] =	ssyncset.done $0x0  }
0x4e: {  	[sflag:s21] =	ssyncadd.s32 $0xFFFFC000  }
0x4f: {  	[spmem:s2] =	stream.indirect.scatter.add.f32 [tilespmem:s19], [sflag:$0x3], $0x80, s23, s18, $0xb8;
	[tilespmem:$0x1DC80] =	vst v63  }
0x50: {  	_ =	swait.ge [sflag:s15], $0x4000  }
0x51: {  	[sflag:s15] =	ssyncset.done $0x0  }
0x52: {  	[sflag:s15] =	ssyncadd.s32 $0xFFFFC000  }
0x53: {  	s25 =	sadd.s32 $0x1, s25;
	_ =	swait.ge [sflag:s22], $0x4000  }
0x54: {  	p1 =	sne.s32 s25, $0x5;
	[sflag:s22] =	ssyncset.done $0x0  }
.Ltmp1:
0x55: {  	[sflag:s22] =	ssyncadd.s32 $0xFFFFC000;
	(pc) =	sbr.rel @p1 .LBB2_2-.Ltmp1, $4  }
0x56: {  	[spmem:s2] =	stream.indirect.scatter.add.f32 [tilespmem:s20], [sflag:$0x3], $0x80, s24, s18, $0xb8;
	[tilespmem:$0x1DC80] =	vst v63  }
0x57: {  	_ =	swait.ge [sflag:s15], $0x4000  }
0x58: {  	[sflag:s15] =	ssyncset.done $0x0  }
0x59: {  	[sflag:s15] =	ssyncadd.s32 $0xFFFFC000  }
0x5a: {  	[bflag:$0x0] =	sbarrier.arrive $0xFFFF  }
0x5b: {  	[hbm:s11], [sflag:s7] =	dma.local [spmem:s14], $0x2700  }
0x5c: {  	s3 =	sadd.s32 $0x1, s3;
	_ =	swait.ge [sflag:s15], $0x2700  }
0x5d: {  	p1 =	sne.s32 s3, s13;
	[sflag:s15] =	ssyncset.done $0x0  }
.Ltmp2:
0x5e: {  	s25 =	simm.s32 @!p0 $0x3;
	[sflag:s15] =	ssyncadd.s32 $0xFFFFD900;
	(pc) =	sbr.rel @p1 .LBB2_1-.Ltmp2, $4  }
0x5f: {  	[hbm:s12], [sflag:s7] =	dma.local @!p0 [spmem:s16], $0x100  }
0x60: {  	_ =	swait.ge @!p0 [sflag:s25], $0x100  }
0x61: {  	[sflag:s25] =	ssyncset.done @!p0 $0x0  }
0x62: {  	[sflag:s25] =	ssyncadd.s32 @!p0 $0xFFFFFF00  }
0x63: {  	_ =	sfence.sel $0x180000  }
0x64: {  	[bflag:$0x0] =	sbarrier.arrive $0xFFFF  }
0x65: {  	_ =	strace $0x9000004A  }
0x66: {  	s0 =	sadd.s32 @!p0 $0x100000, s0;
	[bflag:$0x2] =	sbarrier.arrive $0xFFFF  }
0x67: {  	[sflag:s0] =	ssyncadd.tile.s32 @!p0 $0x1;
	_ =	shalt  }
.Lfunc_end2:
_tile_overlayer_lowered:
.L_overlay_start_2:
0x68: {  	(tag) =	ssettag $0x2  }
0x69: {  	s0 =	rddreg [dreg:$0x0];
	s2 =	stileid.u32  }
0x6a: {  	s1 =	rddreg [dreg:$0x1];
	p0 =	sne.s32 s2, $0x0  }
0x6b: {  	s3 =	rddreg [dreg:$0x2];
	[bflag:$0x3] =	sbarrier.arrive $0xFFFF;
	s2 =	simm.s32 @!p0 $0x1C03  }
0x6c: {  	[timem:s3], [sflag:s2] =	dma.local @!p0 [hbm:s0], s1  }
0x6d: {  	s0 =	simm.s32 @!p0 $0x3  }
0x6e: {  	_ =	swait.ge @!p0 [sflag:s0], s1  }
0x6f: {  	s1 =	ssub.s32 @!p0 $0x0, s1;
	[sflag:s0] =	ssyncset.done @!p0 $0x0  }
0x70: {  	[sflag:s0] =	ssyncadd.s32 @!p0 s1  }
0x71: {  	[bflag:$0x3] =	sbarrier.arrive $0xFFFF  }
0x72: {  	_ =	shalt  }

</sc_bundles>
